<compile_context>
chip_gen: v7x
topology: tpu7x:2x2x1
jax: 0.10.2.dev20260603
libtpu: 0.0.44.dev20260713+nightly
codegen_flags: <defaults>
</compile_context>

<pallas_src>
import functools

import jax
import jax.numpy as jnp
from jax import lax
from jax.experimental import pallas as pl
from jax.experimental.pallas import tpu as pltpu
from jax.experimental.pallas import tpu_sc as plsc

N_PAD = 10240
K = 32
D = 128
H = 8
HD = D // H
VT = 2 * D
NBP = 16

NW = 32
NODES_PER_W = N_PAD // NW
GCHUNK = 4
EDGES_PER_STEP = GCHUNK * K

BN1 = 256
BN3 = 64


def _proj_body(z_ref, w_ref, u_ref, vt_ref):
    b = jnp.dot(z_ref[...], w_ref[...], preferred_element_type=jnp.float32)
    u_ref[...] = b[:, :D]
    vv = b[:, D:2 * D].astype(jnp.bfloat16)
    tt = b[:, 2 * D:].astype(jnp.bfloat16)
    lo = lax.bitcast_convert_type(vv, jnp.uint16).astype(jnp.uint32)
    hi = lax.bitcast_convert_type(tt, jnp.uint16).astype(jnp.uint32)
    vt_ref[...] = lax.bitcast_convert_type(lo | (hi << 16), jnp.int32)


def _proj(z_p, wcat):
    return pl.pallas_call(
        _proj_body,
        grid=(N_PAD // BN1,),
        in_specs=[
            pl.BlockSpec((BN1, D), lambda i: (i, 0)),
            pl.BlockSpec((D, 3 * D), lambda i: (0, 0)),
        ],
        out_specs=[
            pl.BlockSpec((BN1, D), lambda i: (i, 0)),
            pl.BlockSpec((BN1, D), lambda i: (i, 0)),
        ],
        out_shape=[
            jax.ShapeDtypeStruct((N_PAD, D), jnp.float32),
            jax.ShapeDtypeStruct((N_PAD, D), jnp.int32),
        ],
    )(z_p, wcat)


NBUF = 2


def _gather_body(idx_hbm, vt_hbm, out_hbm, ib, vt_sh, rows0, rows1,
                 g0, g1, w0, w1, *, nodes_per_w):
    EPS = EDGES_PER_STEP
    STEPS = nodes_per_w // GCHUNK
    wid = lax.axis_index("s") * 2 + lax.axis_index("c")
    ebase = wid * (nodes_per_w * K)
    bufs = (rows0, rows1)
    gsem = (g0, g1)
    wsem = (w0, w1)

    sid = lax.axis_index("s")
    SROWS = N_PAD // 16
    pltpu.sync_copy(vt_hbm.at[pl.ds(sid * SROWS, SROWS), :],
                    vt_sh.at[pl.ds(sid * SROWS, SROWS), :])
    plsc.subcore_barrier()

    pltpu.sync_copy(idx_hbm.at[pl.ds(ebase, nodes_per_w * K)], ib)

    def ib_at(ci):
        return ib.at[pl.ds(ci * EPS, EPS)]

    def out_at(ci):
        return out_hbm.at[pl.ds(ebase + ci * EPS, EPS), :]

    for b in range(NBUF):
        pltpu.async_copy(vt_sh.at[ib_at(b)], bufs[b], gsem[b])
    for b in range(NBUF):
        pltpu.make_async_copy(vt_sh.at[ib_at(b)], bufs[b], gsem[b]).wait()
        pltpu.async_copy(bufs[b], out_at(b), wsem[b])

    def rot(j, _):
        i0 = NBUF * j
        for b in range(NBUF):
            pltpu.make_async_copy(bufs[b], out_at(0), wsem[b]).wait()
            pltpu.async_copy(vt_sh.at[ib_at(i0 + b)], bufs[b], gsem[b])
        for b in range(NBUF):
            pltpu.make_async_copy(vt_sh.at[ib_at(i0 + b)], bufs[b],
                                  gsem[b]).wait()
            pltpu.async_copy(bufs[b], out_at(i0 + b), wsem[b])
        return 0

    lax.fori_loop(1, STEPS // NBUF, rot, 0)
    for b in range(NBUF):
        pltpu.make_async_copy(bufs[b], out_at(0), wsem[b]).wait()


@functools.cache
def _make_gather(nodes):
    nodes_per_w = nodes // NW
    return pl.kernel(
        functools.partial(_gather_body, nodes_per_w=nodes_per_w),
        mesh=plsc.VectorSubcoreMesh(core_axis_name="c", subcore_axis_name="s"),
        out_type=jax.ShapeDtypeStruct((nodes * K, D), jnp.int32),
        scratch_types=(
            [pltpu.VMEM((nodes_per_w * K,), jnp.int32),
             pltpu.VMEM_SHARED((N_PAD, D), jnp.int32)]
            + [pltpu.VMEM((EDGES_PER_STEP, D), jnp.int32)] * NBUF
            + [pltpu.SemaphoreType.DMA] * (2 * NBUF)
        ),
    )


def _gather(idx_flat, vt):
    return _make_gather(idx_flat.shape[0] // K)(idx_flat, vt)


def _dense_body(z_ref, u_ref, g_ref, bins_ref, y_ref, c_ref, rw_ref,
                out_ref):
    g = lax.bitcast_convert_type(g_ref[...], jnp.uint32)
    vv = lax.bitcast_convert_type(
        (g & 0xFFFF).astype(jnp.uint16), jnp.bfloat16).astype(jnp.float32)
    tt = lax.bitcast_convert_type(
        (g >> 16).astype(jnp.uint16), jnp.bfloat16).astype(jnp.float32)
    gv3 = vv.reshape(BN3, K, D)
    u3 = u_ref[...][:, None, :]
    h = u3 + gv3
    h = jnp.maximum(h, 0.2 * h)
    h2 = h.reshape(BN3 * K, D)
    scores = lax.dot_general(
        h2, y_ref[...],
        dimension_numbers=(((1,), (1,)), ((), ())),
        preferred_element_type=jnp.float32,
    )
    bins = bins_ref[...]
    ib = lax.broadcasted_iota(jnp.int32, (BN3, K, NBP), 2)
    oh = (ib == bins[:, :, None]).astype(jnp.float32)
    cw = jnp.dot(oh.reshape(BN3 * K, NBP), c_ref[...],
                 preferred_element_type=jnp.float32)
    s = (scores + cw).reshape(BN3, K, H)
    m = jnp.max(s, axis=1, keepdims=True)
    e = jnp.exp(s - m)
    esum = jnp.sum(e, axis=1, keepdims=True)
    hd_iota = lax.broadcasted_iota(jnp.int32, (H, D), 1) // HD
    eh = (hd_iota == lax.broadcasted_iota(jnp.int32, (H, D), 0))
    ehf = eh.astype(jnp.float32)
    e_full = jnp.dot(e.reshape(BN3 * K, H), ehf,
                     preferred_element_type=jnp.float32)
    prod = e_full * tt
    agg_u = jnp.sum(prod.reshape(BN3, K, D), axis=1)
    inv_full = jnp.dot((1.0 / esum).reshape(BN3, H), ehf,
                       preferred_element_type=jnp.float32)
    agg = agg_u * inv_full

    res = agg + rw_ref[0, 0] * z_ref[...]
    out_ref[...] = jnp.maximum(res, 0.2 * res)


def _dense(z_p, u, gathered, bins_flat, y_w, c_pad, rw):
    nrows = z_p.shape[0]
    return pl.pallas_call(
        _dense_body,
        grid=(nrows // BN3,),
        in_specs=[
            pl.BlockSpec((BN3, D), lambda i: (i, 0)),
            pl.BlockSpec((BN3, D), lambda i: (i, 0)),
            pl.BlockSpec((BN3 * K, D), lambda i: (i, 0)),
            pl.BlockSpec((BN3, K), lambda i: (i, 0)),
            pl.BlockSpec((H, D), lambda i: (0, 0)),
            pl.BlockSpec((NBP, H), lambda i: (0, 0)),
            pl.BlockSpec((1, 1), lambda i: (0, 0), memory_space=pltpu.SMEM),
        ],
        out_specs=pl.BlockSpec((BN3, D), lambda i: (i, 0)),
        out_shape=jax.ShapeDtypeStruct((nrows, D), jnp.float32),
    )(z_p, u, gathered, bins_flat, y_w, c_pad, rw)


def kernel(z, A, neighbor_indices, affinity_bins, P_w, y_w, W_w, c_bins,
           residual_weight):
    n, d = z.shape
    pad = N_PAD - n
    z_p = jnp.pad(z, ((0, pad), (0, 0)))
    ni_p = jnp.pad(neighbor_indices, ((0, pad), (0, 0)))
    ab_p = jnp.pad(affinity_bins, ((0, pad), (0, 0)))
    c_pad = jnp.pad(c_bins, ((0, NBP - c_bins.shape[0]), (0, 0)))
    wcat = jnp.concatenate(
        [P_w[:, :D].T, P_w[:, D:].T, W_w.T], axis=1)

    u, vt = _proj(z_p, wcat)
    rw = residual_weight.reshape(1, 1)
    S = 4
    NS = N_PAD // S
    idx_flat = ni_p.reshape(-1)
    gathered = [_gather(idx_flat[s * NS * K:(s + 1) * NS * K], vt)
                for s in range(S)]
    outs = [
        _dense(z_p[s * NS:(s + 1) * NS], u[s * NS:(s + 1) * NS], gathered[s],
               ab_p[s * NS:(s + 1) * NS], y_w, c_pad, rw)
        for s in range(S)
    ]
    out_p = jnp.concatenate(outs, axis=0)
    return out_p[:n]

# --- scband reference (transcript-rebuilt; emitter-appended) ---
"""Pipeline reference for scband-relation-level-aggregation-88055419503364 (READ-ONLY COPY).

The authoritative reference and input builder live on the scoring server;
editing this copy changes nothing except your own understanding.
"""

import jax, jax.numpy as jnp
import numpy as np

N = 10000   # num_relations
K = 32      # max_neighbors
D = 128     # hidden_dim
H = 8       # num_heads
NB = 10     # num_bins


def setup_inputs(seed: int = 0) -> dict:
    key = jax.random.key(seed)
    ks = jax.random.split(key, 8)
    z = jax.random.normal(ks[0], (N, D), dtype=jnp.float32)
    A = jnp.zeros((N, N), dtype=jnp.float32)  # unused by forward but part of signature
    neighbor_indices = jax.random.randint(ks[1], (N, K), 0, N, dtype=jnp.int32)
    affinity_bins = jax.random.randint(ks[2], (N, K), 0, NB, dtype=jnp.int32)
    # Learned parameters (nn.Linear stores weight of shape [out, in]; y = x @ W.T)
    P_w = jax.random.normal(ks[3], (D, 2 * D), dtype=jnp.float32) * 0.05
    y_w = jax.random.normal(ks[4], (H, D), dtype=jnp.float32) * 0.05
    W_w = jax.random.normal(ks[5], (D, D), dtype=jnp.float32) * 0.05
    c_bins = jax.random.normal(ks[6], (NB, H), dtype=jnp.float32)
    residual_weight = jnp.ones((1,), dtype=jnp.float32)
    return {
        "z": z,
        "A": A,
        "neighbor_indices": neighbor_indices,
        "affinity_bins": affinity_bins,
        "P_w": P_w,
        "y_w": y_w,
        "W_w": W_w,
        "c_bins": c_bins,
        "residual_weight": residual_weight,
    }


def reference(z, A, neighbor_indices, affinity_bins, P_w, y_w, W_w, c_bins, residual_weight):
    # Vectorized, faithful translation of the per-relation torch loop.
    # All neighbor indices generated here are >= 0, so the valid_mask in the
    # original code is all-True (same math).
    lrelu = lambda x: jax.nn.leaky_relu(x, negative_slope=0.2)
    n, d = z.shape
    head_dim = d // H

    z_neighbors = jnp.take(z, neighbor_indices, axis=0)          # [N, K, D] (gather)
    z_i = jnp.broadcast_to(z[:, None, :], z_neighbors.shape)      # [N, K, D]
    z_concat = jnp.concatenate([z_i, z_neighbors], axis=-1)       # [N, K, 2D]

    h = lrelu(jnp.einsum('nkf,df->nkd', z_concat, P_w))           # self.P then leaky_relu
    attn_scores = jnp.einsum('nkd,hd->nkh', h, y_w)               # self.y -> [N, K, H]
    c_weights = jnp.take(c_bins, affinity_bins, axis=0)           # [N, K, H] (gather)
    attn_scores = attn_scores + c_weights
    attn_weights = jax.nn.softmax(attn_scores, axis=1)            # softmax over neighbors
    # dropout is identity in eval mode

    z_transformed = jnp.einsum('nkd,od->nko', z_neighbors, W_w)   # self.W -> [N, K, D]
    z_transformed = z_transformed.reshape(n, -1, H, head_dim)     # [N, K, H, head_dim]
    z_aggregated = (attn_weights[..., None] * z_transformed).sum(axis=1)  # [N, H, head_dim]
    z_aggregated = z_aggregated.reshape(n, d)

    z_new = lrelu(z_aggregated + residual_weight * z)
    return z_new

if __name__ == "__main__":
    import jax
    _d = setup_inputs()
    print(jax.jit(kernel)(*tuple(_d.values())))

</pallas_src>

<mosaic_0001>
#map = affine_map<(d0, d1) -> (0)>
#map1 = affine_map<(d0, d1) -> (0, 0)>
module attributes {stable_mosaic.version = 14 : i64} {
  func.func @_gather_body(%arg0: i32, %arg1: i32, %arg2: memref<81920xi32, #tpu.memory_space<hbm>>, %arg3: memref<10240x128xi32, #tpu.memory_space<hbm>>, %arg4: memref<81920x128xi32, #tpu.memory_space<hbm>>, %arg5: memref<2560xi32, #tpu.memory_space<vmem>>, %arg6: memref<10240x128xi32, #tpu.memory_space<vmem_shared>>, %arg7: memref<128x128xi32, #tpu.memory_space<vmem>>, %arg8: memref<128x128xi32, #tpu.memory_space<vmem>>, %arg9: memref<!tpu.dma_semaphore, #tpu.memory_space<semaphore_mem>>, %arg10: memref<!tpu.dma_semaphore, #tpu.memory_space<semaphore_mem>>, %arg11: memref<!tpu.dma_semaphore, #tpu.memory_space<semaphore_mem>>, %arg12: memref<!tpu.dma_semaphore, #tpu.memory_space<semaphore_mem>>) attributes {dimension_semantics = [#tpu.dimension_semantics<core_parallel>, #tpu.dimension_semantics<subcore_parallel>], iteration_bounds = array<i64: 2, 16>, scalar_prefetch = 0 : i64, scratch_operands = 8 : i64, tpu.core_type = #tpu.core_type<sc_vector_subcore>, window_params = [{transform_indices = #map}, {transform_indices = #map1}, {transform_indices = #map1}]} {
    %mul3A = arith.constant 2 : i32
    %mul3A_0 = arith.muli %arg1, %mul3A : i32
    %add3A = arith.addi %mul3A_0, %arg0 : i32
    %mul3A_1 = arith.constant 2560 : i32
    %mul3A_2 = arith.muli %add3A, %mul3A_1 : i32
    %mul3A_3 = arith.constant 640 : i32
    %mul3A_4 = arith.muli %arg1, %mul3A_3 : i32
    %mul3A_5 = arith.constant 640 : i32
    %mul3A_6 = arith.muli %arg1, %mul3A_5 : i32
    "tpu.region"() ({
      %run_scoped3A = tpu.sem_alloc : memref<!tpu.dma_semaphore, #tpu.memory_space<semaphore_mem>>
      %dma_start3A_55 = arith.constant 0 : i32
      %dma_start3A_56 = tpu.memref_slice %arg6[%mul3A_6, %dma_start3A_55] : memref<10240x128xi32, #tpu.memory_space<vmem_shared>> -> memref<640x128xi32, #tpu.memory_space<vmem_shared>>
      %dma_start3A_57 = arith.constant 0 : i32
      %dma_start3A_58 = tpu.memref_slice %arg3[%mul3A_4, %dma_start3A_57] : memref<10240x128xi32, #tpu.memory_space<hbm>> -> memref<640x128xi32, #tpu.memory_space<hbm>>
      tpu.enqueue_dma source(%dma_start3A_58 : memref<640x128xi32, #tpu.memory_space<hbm>>) target(%dma_start3A_56 : memref<640x128xi32, #tpu.memory_space<vmem_shared>>) target_semaphore(%run_scoped3A : memref<!tpu.dma_semaphore, #tpu.memory_space<semaphore_mem>>)
      %dma_wait3A_59 = arith.constant 0 : i32
      %dma_wait3A_60 = tpu.memref_slice %arg6[%mul3A_6, %dma_wait3A_59] : memref<10240x128xi32, #tpu.memory_space<vmem_shared>> -> memref<640x128xi32, #tpu.memory_space<vmem_shared>>
      %dma_wait3A_61 = arith.constant 0 : i32
      %dma_wait3A_62 = tpu.memref_slice %arg3[%mul3A_4, %dma_wait3A_61] : memref<10240x128xi32, #tpu.memory_space<hbm>> -> memref<640x128xi32, #tpu.memory_space<hbm>>
      tpu.wait_dma2 semaphore(%run_scoped3A : memref<!tpu.dma_semaphore, #tpu.memory_space<semaphore_mem>>) src(%dma_wait3A_62 : memref<640x128xi32, #tpu.memory_space<hbm>>) dst(%dma_wait3A_60 : memref<640x128xi32, #tpu.memory_space<vmem_shared>>)
      tpu.yield
    }) : () -> ()
    %barrier3A = arith.constant 0 : index
    tpu.barrier barrier_id(%barrier3A)
    "tpu.region"() ({
      %run_scoped3A = tpu.sem_alloc : memref<!tpu.dma_semaphore, #tpu.memory_space<semaphore_mem>>
      %dma_start3A_55 = tpu.memref_slice %arg2[%mul3A_2] : memref<81920xi32, #tpu.memory_space<hbm>> -> memref<2560xi32, #tpu.memory_space<hbm>>
      %dma_start3A_56 = tpu.memref_slice %arg2[%mul3A_2] : memref<81920xi32, #tpu.memory_space<hbm>> -> memref<2560xi32, #tpu.memory_space<hbm>>
      tpu.enqueue_dma source(%dma_start3A_56 : memref<2560xi32, #tpu.memory_space<hbm>>) target(%arg5 : memref<2560xi32, #tpu.memory_space<vmem>>) target_semaphore(%run_scoped3A : memref<!tpu.dma_semaphore, #tpu.memory_space<semaphore_mem>>)
      %dma_wait3A_57 = tpu.memref_slice %arg2[%mul3A_2] : memref<81920xi32, #tpu.memory_space<hbm>> -> memref<2560xi32, #tpu.memory_space<hbm>>
      %dma_wait3A_58 = tpu.memref_slice %arg2[%mul3A_2] : memref<81920xi32, #tpu.memory_space<hbm>> -> memref<2560xi32, #tpu.memory_space<hbm>>
      tpu.wait_dma2 semaphore(%run_scoped3A : memref<!tpu.dma_semaphore, #tpu.memory_space<semaphore_mem>>) src(%dma_wait3A_58 : memref<2560xi32, #tpu.memory_space<hbm>>) dst(%arg5 : memref<2560xi32, #tpu.memory_space<vmem>>)
      tpu.yield
    }) : () -> ()
    %dma_start3A = arith.constant 0 : i32
    %dma_start3A_7 = tpu.memref_slice %arg5[%dma_start3A] : memref<2560xi32, #tpu.memory_space<vmem>> -> memref<128xi32, #tpu.memory_space<vmem>>
    %dma_start3A_8 = arith.constant 0 : i32
    %dma_start3A_9 = arith.constant 0 : i32
    %dma_start3A_10 = tpu.memref_slice %arg6[%dma_start3A_8, %dma_start3A_9] : memref<10240x128xi32, #tpu.memory_space<vmem_shared>> -> memref<10240x128xi32, #tpu.memory_space<vmem_shared>>
    tpu.enqueue_indirect_dma source(%dma_start3A_10 : memref<10240x128xi32, #tpu.memory_space<vmem_shared>>) target(%arg7 : memref<128x128xi32, #tpu.memory_space<vmem>>) offsets(%dma_start3A_7 : memref<128xi32, #tpu.memory_space<vmem>>) semaphore(%arg9 : memref<!tpu.dma_semaphore, #tpu.memory_space<semaphore_mem>>)
    %dma_start3A_11 = arith.constant 128 : i32
    %dma_start3A_12 = tpu.memref_slice %arg5[%dma_start3A_11] : memref<2560xi32, #tpu.memory_space<vmem>> -> memref<128xi32, #tpu.memory_space<vmem>>
    %dma_start3A_13 = arith.constant 0 : i32
    %dma_start3A_14 = arith.constant 0 : i32
    %dma_start3A_15 = tpu.memref_slice %arg6[%dma_start3A_13, %dma_start3A_14] : memref<10240x128xi32, #tpu.memory_space<vmem_shared>> -> memref<10240x128xi32, #tpu.memory_space<vmem_shared>>
    tpu.enqueue_indirect_dma source(%dma_start3A_15 : memref<10240x128xi32, #tpu.memory_space<vmem_shared>>) target(%arg8 : memref<128x128xi32, #tpu.memory_space<vmem>>) offsets(%dma_start3A_12 : memref<128xi32, #tpu.memory_space<vmem>>) semaphore(%arg10 : memref<!tpu.dma_semaphore, #tpu.memory_space<semaphore_mem>>)
    %dma_wait3A = arith.constant 0 : i32
    %dma_wait3A_16 = tpu.memref_slice %arg5[%dma_wait3A] : memref<2560xi32, #tpu.memory_space<vmem>> -> memref<128xi32, #tpu.memory_space<vmem>>
    %dma_wait3A_17 = arith.constant 0 : i32
    %dma_wait3A_18 = arith.constant 0 : i32
    %dma_wait3A_19 = tpu.memref_slice %arg6[%dma_wait3A_17, %dma_wait3A_18] : memref<10240x128xi32, #tpu.memory_space<vmem_shared>> -> memref<10240x128xi32, #tpu.memory_space<vmem_shared>>
    tpu.wait_indirect_dma semaphore(%arg9 : memref<!tpu.dma_semaphore, #tpu.memory_space<semaphore_mem>>) src(%dma_wait3A_19 : memref<10240x128xi32, #tpu.memory_space<vmem_shared>>) dst(%arg7 : memref<128x128xi32, #tpu.memory_space<vmem>>)
    %add3A_20 = arith.constant 0 : i32
    %add3A_21 = arith.addi %mul3A_2, %add3A_20 : i32
    %dma_start3A_22 = arith.constant 0 : i32
    %dma_start3A_23 = tpu.memref_slice %arg4[%add3A_21, %dma_start3A_22] : memref<81920x128xi32, #tpu.memory_space<hbm>> -> memref<128x128xi32, #tpu.memory_space<hbm>>
    %dma_start3A_24 = arith.constant 0 : i32
    %dma_start3A_25 = tpu.memref_slice %arg4[%add3A_21, %dma_start3A_24] : memref<81920x128xi32, #tpu.memory_space<hbm>> -> memref<128x128xi32, #tpu.memory_space<hbm>>
    tpu.enqueue_dma source(%arg7 : memref<128x128xi32, #tpu.memory_space<vmem>>) target(%dma_start3A_25 : memref<128x128xi32, #tpu.memory_space<hbm>>) target_semaphore(%arg11 : memref<!tpu.dma_semaphore, #tpu.memory_space<semaphore_mem>>)
    %dma_wait3A_26 = arith.constant 128 : i32
    %dma_wait3A_27 = tpu.memref_slice %arg5[%dma_wait3A_26] : memref<2560xi32, #tpu.memory_space<vmem>> -> memref<128xi32, #tpu.memory_space<vmem>>
    %dma_wait3A_28 = arith.constant 0 : i32
    %dma_wait3A_29 = arith.constant 0 : i32
    %dma_wait3A_30 = tpu.memref_slice %arg6[%dma_wait3A_28, %dma_wait3A_29] : memref<10240x128xi32, #tpu.memory_space<vmem_shared>> -> memref<10240x128xi32, #tpu.memory_space<vmem_shared>>
    tpu.wait_indirect_dma semaphore(%arg10 : memref<!tpu.dma_semaphore, #tpu.memory_space<semaphore_mem>>) src(%dma_wait3A_30 : memref<10240x128xi32, #tpu.memory_space<vmem_shared>>) dst(%arg8 : memref<128x128xi32, #tpu.memory_space<vmem>>)
    %add3A_31 = arith.constant 128 : i32
    %add3A_32 = arith.addi %mul3A_2, %add3A_31 : i32
    %dma_start3A_33 = arith.constant 0 : i32
    %dma_start3A_34 = tpu.memref_slice %arg4[%add3A_32, %dma_start3A_33] : memref<81920x128xi32, #tpu.memory_space<hbm>> -> memref<128x128xi32, #tpu.memory_space<hbm>>
    %dma_start3A_35 = arith.constant 0 : i32
    %dma_start3A_36 = tpu.memref_slice %arg4[%add3A_32, %dma_start3A_35] : memref<81920x128xi32, #tpu.memory_space<hbm>> -> memref<128x128xi32, #tpu.memory_space<hbm>>
    tpu.enqueue_dma source(%arg8 : memref<128x128xi32, #tpu.memory_space<vmem>>) target(%dma_start3A_36 : memref<128x128xi32, #tpu.memory_space<hbm>>) target_semaphore(%arg12 : memref<!tpu.dma_semaphore, #tpu.memory_space<semaphore_mem>>)
    %scan3A = arith.constant 0 : i32
    %scan3A_37 = arith.constant 1 : i32
    %scan3A_38 = arith.constant 9 : i32
    %scan3A_39 = arith.addi %scan3A_37, %scan3A_38 : i32
    %scan3A_40 = arith.constant 1 : i32
    %scan3A_41 = scf.for %scan3A_55 = %scan3A_37 to %scan3A_39 step %scan3A_40 iter_args(%scan3A_56 = %scan3A) -> (i32)  : i32 {
      %mul3A_57 = arith.constant 2 : i32
      %mul3A_58 = arith.muli %mul3A_57, %scan3A_55 : i32
      %add3A_59 = arith.constant 0 : i32
      %add3A_60 = arith.addi %mul3A_2, %add3A_59 : i32
      %dma_wait3A_61 = arith.constant 0 : i32
      %dma_wait3A_62 = tpu.memref_slice %arg4[%add3A_60, %dma_wait3A_61] : memref<81920x128xi32, #tpu.memory_space<hbm>> -> memref<128x128xi32, #tpu.memory_space<hbm>>
      %dma_wait3A_63 = arith.constant 0 : i32
      %dma_wait3A_64 = tpu.memref_slice %arg4[%add3A_60, %dma_wait3A_63] : memref<81920x128xi32, #tpu.memory_space<hbm>> -> memref<128x128xi32, #tpu.memory_space<hbm>>
      tpu.wait_dma2 semaphore(%arg11 : memref<!tpu.dma_semaphore, #tpu.memory_space<semaphore_mem>>) src(%arg7 : memref<128x128xi32, #tpu.memory_space<vmem>>) dst(%dma_wait3A_64 : memref<128x128xi32, #tpu.memory_space<hbm>>)
      %add3A_65 = arith.constant 0 : i32
      %add3A_66 = arith.addi %mul3A_58, %add3A_65 : i32
      %mul3A_67 = arith.constant 128 : i32
      %mul3A_68 = arith.muli %add3A_66, %mul3A_67 : i32
      %dma_start3A_69 = tpu.memref_slice %arg5[%mul3A_68] : memref<2560xi32, #tpu.memory_space<vmem>> -> memref<128xi32, #tpu.memory_space<vmem>>
      %dma_start3A_70 = arith.constant 0 : i32
      %dma_start3A_71 = arith.constant 0 : i32
      %dma_start3A_72 = tpu.memref_slice %arg6[%dma_start3A_70, %dma_start3A_71] : memref<10240x128xi32, #tpu.memory_space<vmem_shared>> -> memref<10240x128xi32, #tpu.memory_space<vmem_shared>>
      tpu.enqueue_indirect_dma source(%dma_start3A_72 : memref<10240x128xi32, #tpu.memory_space<vmem_shared>>) target(%arg7 : memref<128x128xi32, #tpu.memory_space<vmem>>) offsets(%dma_start3A_69 : memref<128xi32, #tpu.memory_space<vmem>>) semaphore(%arg9 : memref<!tpu.dma_semaphore, #tpu.memory_space<semaphore_mem>>)
      %add3A_73 = arith.constant 0 : i32
      %add3A_74 = arith.addi %mul3A_2, %add3A_73 : i32
      %dma_wait3A_75 = arith.constant 0 : i32
      %dma_wait3A_76 = tpu.memref_slice %arg4[%add3A_74, %dma_wait3A_75] : memref<81920x128xi32, #tpu.memory_space<hbm>> -> memref<128x128xi32, #tpu.memory_space<hbm>>
      %dma_wait3A_77 = arith.constant 0 : i32
      %dma_wait3A_78 = tpu.memref_slice %arg4[%add3A_74, %dma_wait3A_77] : memref<81920x128xi32, #tpu.memory_space<hbm>> -> memref<128x128xi32, #tpu.memory_space<hbm>>
      tpu.wait_dma2 semaphore(%arg12 : memref<!tpu.dma_semaphore, #tpu.memory_space<semaphore_mem>>) src(%arg8 : memref<128x128xi32, #tpu.memory_space<vmem>>) dst(%dma_wait3A_78 : memref<128x128xi32, #tpu.memory_space<hbm>>)
      %add3A_79 = arith.constant 1 : i32
      %add3A_80 = arith.addi %mul3A_58, %add3A_79 : i32
      %mul3A_81 = arith.constant 128 : i32
      %mul3A_82 = arith.muli %add3A_80, %mul3A_81 : i32
      %dma_start3A_83 = tpu.memref_slice %arg5[%mul3A_82] : memref<2560xi32, #tpu.memory_space<vmem>> -> memref<128xi32, #tpu.memory_space<vmem>>
      %dma_start3A_84 = arith.constant 0 : i32
      %dma_start3A_85 = arith.constant 0 : i32
      %dma_start3A_86 = tpu.memref_slice %arg6[%dma_start3A_84, %dma_start3A_85] : memref<10240x128xi32, #tpu.memory_space<vmem_shared>> -> memref<10240x128xi32, #tpu.memory_space<vmem_shared>>
      tpu.enqueue_indirect_dma source(%dma_start3A_86 : memref<10240x128xi32, #tpu.memory_space<vmem_shared>>) target(%arg8 : memref<128x128xi32, #tpu.memory_space<vmem>>) offsets(%dma_start3A_83 : memref<128xi32, #tpu.memory_space<vmem>>) semaphore(%arg10 : memref<!tpu.dma_semaphore, #tpu.memory_space<semaphore_mem>>)
      %add3A_87 = arith.constant 0 : i32
      %add3A_88 = arith.addi %mul3A_58, %add3A_87 : i32
      %mul3A_89 = arith.constant 128 : i32
      %mul3A_90 = arith.muli %add3A_88, %mul3A_89 : i32
      %dma_wait3A_91 = tpu.memref_slice %arg5[%mul3A_90] : memref<2560xi32, #tpu.memory_space<vmem>> -> memref<128xi32, #tpu.memory_space<vmem>>
      %dma_wait3A_92 = arith.constant 0 : i32
      %dma_wait3A_93 = arith.constant 0 : i32
      %dma_wait3A_94 = tpu.memref_slice %arg6[%dma_wait3A_92, %dma_wait3A_93] : memref<10240x128xi32, #tpu.memory_space<vmem_shared>> -> memref<10240x128xi32, #tpu.memory_space<vmem_shared>>
      tpu.wait_indirect_dma semaphore(%arg9 : memref<!tpu.dma_semaphore, #tpu.memory_space<semaphore_mem>>) src(%dma_wait3A_94 : memref<10240x128xi32, #tpu.memory_space<vmem_shared>>) dst(%arg7 : memref<128x128xi32, #tpu.memory_space<vmem>>)
      %add3A_95 = arith.constant 0 : i32
      %add3A_96 = arith.addi %mul3A_58, %add3A_95 : i32
      %mul3A_97 = arith.constant 128 : i32
      %mul3A_98 = arith.muli %add3A_96, %mul3A_97 : i32
      %add3A_99 = arith.addi %mul3A_2, %mul3A_98 : i32
      %dma_start3A_100 = arith.constant 0 : i32
      %dma_start3A_101 = tpu.memref_slice %arg4[%add3A_99, %dma_start3A_100] : memref<81920x128xi32, #tpu.memory_space<hbm>> -> memref<128x128xi32, #tpu.memory_space<hbm>>
      %dma_start3A_102 = arith.constant 0 : i32
      %dma_start3A_103 = tpu.memref_slice %arg4[%add3A_99, %dma_start3A_102] : memref<81920x128xi32, #tpu.memory_space<hbm>> -> memref<128x128xi32, #tpu.memory_space<hbm>>
      tpu.enqueue_dma source(%arg7 : memref<128x128xi32, #tpu.memory_space<vmem>>) target(%dma_start3A_103 : memref<128x128xi32, #tpu.memory_space<hbm>>) target_semaphore(%arg11 : memref<!tpu.dma_semaphore, #tpu.memory_space<semaphore_mem>>)
      %add3A_104 = arith.constant 1 : i32
      %add3A_105 = arith.addi %mul3A_58, %add3A_104 : i32
      %mul3A_106 = arith.constant 128 : i32
      %mul3A_107 = arith.muli %add3A_105, %mul3A_106 : i32
      %dma_wait3A_108 = tpu.memref_slice %arg5[%mul3A_107] : memref<2560xi32, #tpu.memory_space<vmem>> -> memref<128xi32, #tpu.memory_space<vmem>>
      %dma_wait3A_109 = arith.constant 0 : i32
      %dma_wait3A_110 = arith.constant 0 : i32
      %dma_wait3A_111 = tpu.memref_slice %arg6[%dma_wait3A_109, %dma_wait3A_110] : memref<10240x128xi32, #tpu.memory_space<vmem_shared>> -> memref<10240x128xi32, #tpu.memory_space<vmem_shared>>
      tpu.wait_indirect_dma semaphore(%arg10 : memref<!tpu.dma_semaphore, #tpu.memory_space<semaphore_mem>>) src(%dma_wait3A_111 : memref<10240x128xi32, #tpu.memory_space<vmem_shared>>) dst(%arg8 : memref<128x128xi32, #tpu.memory_space<vmem>>)
      %add3A_112 = arith.constant 1 : i32
      %add3A_113 = arith.addi %mul3A_58, %add3A_112 : i32
      %mul3A_114 = arith.constant 128 : i32
      %mul3A_115 = arith.muli %add3A_113, %mul3A_114 : i32
      %add3A_116 = arith.addi %mul3A_2, %mul3A_115 : i32
      %dma_start3A_117 = arith.constant 0 : i32
      %dma_start3A_118 = tpu.memref_slice %arg4[%add3A_116, %dma_start3A_117] : memref<81920x128xi32, #tpu.memory_space<hbm>> -> memref<128x128xi32, #tpu.memory_space<hbm>>
      %dma_start3A_119 = arith.constant 0 : i32
      %dma_start3A_120 = tpu.memref_slice %arg4[%add3A_116, %dma_start3A_119] : memref<81920x128xi32, #tpu.memory_space<hbm>> -> memref<128x128xi32, #tpu.memory_space<hbm>>
      tpu.enqueue_dma source(%arg8 : memref<128x128xi32, #tpu.memory_space<vmem>>) target(%dma_start3A_120 : memref<128x128xi32, #tpu.memory_space<hbm>>) target_semaphore(%arg12 : memref<!tpu.dma_semaphore, #tpu.memory_space<semaphore_mem>>)
      %scan3A_121 = arith.constant 0 : i32
      scf.yield %scan3A_121 : i32
    }
    %scan3A_42 = arith.constant 9 : i32
    %add3A_43 = arith.constant 0 : i32
    %add3A_44 = arith.addi %mul3A_2, %add3A_43 : i32
    %dma_wait3A_45 = arith.constant 0 : i32
    %dma_wait3A_46 = tpu.memref_slice %arg4[%add3A_44, %dma_wait3A_45] : memref<81920x128xi32, #tpu.memory_space<hbm>> -> memref<128x128xi32, #tpu.memory_space<hbm>>
    %dma_wait3A_47 = arith.constant 0 : i32
    %dma_wait3A_48 = tpu.memref_slice %arg4[%add3A_44, %dma_wait3A_47] : memref<81920x128xi32, #tpu.memory_space<hbm>> -> memref<128x128xi32, #tpu.memory_space<hbm>>
    tpu.wait_dma2 semaphore(%arg11 : memref<!tpu.dma_semaphore, #tpu.memory_space<semaphore_mem>>) src(%arg7 : memref<128x128xi32, #tpu.memory_space<vmem>>) dst(%dma_wait3A_48 : memref<128x128xi32, #tpu.memory_space<hbm>>)
    %add3A_49 = arith.constant 0 : i32
    %add3A_50 = arith.addi %mul3A_2, %add3A_49 : i32
    %dma_wait3A_51 = arith.constant 0 : i32
    %dma_wait3A_52 = tpu.memref_slice %arg4[%add3A_50, %dma_wait3A_51] : memref<81920x128xi32, #tpu.memory_space<hbm>> -> memref<128x128xi32, #tpu.memory_space<hbm>>
    %dma_wait3A_53 = arith.constant 0 : i32
    %dma_wait3A_54 = tpu.memref_slice %arg4[%add3A_50, %dma_wait3A_53] : memref<81920x128xi32, #tpu.memory_space<hbm>> -> memref<128x128xi32, #tpu.memory_space<hbm>>
    tpu.wait_dma2 semaphore(%arg12 : memref<!tpu.dma_semaphore, #tpu.memory_space<semaphore_mem>>) src(%arg8 : memref<128x128xi32, #tpu.memory_space<vmem>>) dst(%dma_wait3A_54 : memref<128x128xi32, #tpu.memory_space<hbm>>)
    return
  }
}

#map = affine_map<(d0, d1) -> (0)>
#map1 = affine_map<(d0, d1) -> (0, 0)>
module attributes {stable_mosaic.version = 14 : i64} {
  func.func @_gather_body(%arg0: i32, %arg1: i32, %arg2: memref<81920xi32, #tpu.memory_space<hbm>>, %arg3: memref<10240x128xi32, #tpu.memory_space<hbm>>, %arg4: memref<81920x128xi32, #tpu.memory_space<hbm>>, %arg5: memref<2560xi32, #tpu.memory_space<vmem>>, %arg6: memref<10240x128xi32, #tpu.memory_space<vmem_shared>>, %arg7: memref<128x128xi32, #tpu.memory_space<vmem>>, %arg8: memref<128x128xi32, #tpu.memory_space<vmem>>, %arg9: memref<!tpu.dma_semaphore, #tpu.memory_space<semaphore_mem>>, %arg10: memref<!tpu.dma_semaphore, #tpu.memory_space<semaphore_mem>>, %arg11: memref<!tpu.dma_semaphore, #tpu.memory_space<semaphore_mem>>, %arg12: memref<!tpu.dma_semaphore, #tpu.memory_space<semaphore_mem>>) attributes {dimension_semantics = [#tpu.dimension_semantics<core_parallel>, #tpu.dimension_semantics<subcore_parallel>], iteration_bounds = array<i64: 2, 16>, scalar_prefetch = 0 : i64, scratch_operands = 8 : i64, tpu.core_type = #tpu.core_type<sc_vector_subcore>, window_params = [{transform_indices = #map}, {transform_indices = #map1}, {transform_indices = #map1}]} {
    %mul3A = arith.constant 2 : i32
    %mul3A_0 = arith.muli %arg1, %mul3A : i32
    %add3A = arith.addi %mul3A_0, %arg0 : i32
    %mul3A_1 = arith.constant 2560 : i32
    %mul3A_2 = arith.muli %add3A, %mul3A_1 : i32
    %mul3A_3 = arith.constant 640 : i32
    %mul3A_4 = arith.muli %arg1, %mul3A_3 : i32
    %mul3A_5 = arith.constant 640 : i32
    %mul3A_6 = arith.muli %arg1, %mul3A_5 : i32
    "tpu.region"() ({
      %run_scoped3A = tpu.sem_alloc : memref<!tpu.dma_semaphore, #tpu.memory_space<semaphore_mem>>
      %dma_start3A_55 = arith.constant 0 : i32
      %dma_start3A_56 = tpu.memref_slice %arg6[%mul3A_6, %dma_start3A_55] : memref<10240x128xi32, #tpu.memory_space<vmem_shared>> -> memref<640x128xi32, #tpu.memory_space<vmem_shared>>
      %dma_start3A_57 = arith.constant 0 : i32
      %dma_start3A_58 = tpu.memref_slice %arg3[%mul3A_4, %dma_start3A_57] : memref<10240x128xi32, #tpu.memory_space<hbm>> -> memref<640x128xi32, #tpu.memory_space<hbm>>
      tpu.enqueue_dma source(%dma_start3A_58 : memref<640x128xi32, #tpu.memory_space<hbm>>) target(%dma_start3A_56 : memref<640x128xi32, #tpu.memory_space<vmem_shared>>) target_semaphore(%run_scoped3A : memref<!tpu.dma_semaphore, #tpu.memory_space<semaphore_mem>>)
      %dma_wait3A_59 = arith.constant 0 : i32
      %dma_wait3A_60 = tpu.memref_slice %arg6[%mul3A_6, %dma_wait3A_59] : memref<10240x128xi32, #tpu.memory_space<vmem_shared>> -> memref<640x128xi32, #tpu.memory_space<vmem_shared>>
      %dma_wait3A_61 = arith.constant 0 : i32
      %dma_wait3A_62 = tpu.memref_slice %arg3[%mul3A_4, %dma_wait3A_61] : memref<10240x128xi32, #tpu.memory_space<hbm>> -> memref<640x128xi32, #tpu.memory_space<hbm>>
      tpu.wait_dma2 semaphore(%run_scoped3A : memref<!tpu.dma_semaphore, #tpu.memory_space<semaphore_mem>>) src(%dma_wait3A_62 : memref<640x128xi32, #tpu.memory_space<hbm>>) dst(%dma_wait3A_60 : memref<640x128xi32, #tpu.memory_space<vmem_shared>>)
      tpu.yield
    }) : () -> ()
    %barrier3A = arith.constant 0 : index
    tpu.barrier barrier_id(%barrier3A)
    "tpu.region"() ({
      %run_scoped3A = tpu.sem_alloc : memref<!tpu.dma_semaphore, #tpu.memory_space<semaphore_mem>>
      %dma_start3A_55 = tpu.memref_slice %arg2[%mul3A_2] : memref<81920xi32, #tpu.memory_space<hbm>> -> memref<2560xi32, #tpu.memory_space<hbm>>
      %dma_start3A_56 = tpu.memref_slice %arg2[%mul3A_2] : memref<81920xi32, #tpu.memory_space<hbm>> -> memref<2560xi32, #tpu.memory_space<hbm>>
      tpu.enqueue_dma source(%dma_start3A_56 : memref<2560xi32, #tpu.memory_space<hbm>>) target(%arg5 : memref<2560xi32, #tpu.memory_space<vmem>>) target_semaphore(%run_scoped3A : memref<!tpu.dma_semaphore, #tpu.memory_space<semaphore_mem>>)
      %dma_wait3A_57 = tpu.memref_slice %arg2[%mul3A_2] : memref<81920xi32, #tpu.memory_space<hbm>> -> memref<2560xi32, #tpu.memory_space<hbm>>
      %dma_wait3A_58 = tpu.memref_slice %arg2[%mul3A_2] : memref<81920xi32, #tpu.memory_space<hbm>> -> memref<2560xi32, #tpu.memory_space<hbm>>
      tpu.wait_dma2 semaphore(%run_scoped3A : memref<!tpu.dma_semaphore, #tpu.memory_space<semaphore_mem>>) src(%dma_wait3A_58 : memref<2560xi32, #tpu.memory_space<hbm>>) dst(%arg5 : memref<2560xi32, #tpu.memory_space<vmem>>)
      tpu.yield
    }) : () -> ()
    %dma_start3A = arith.constant 0 : i32
    %dma_start3A_7 = tpu.memref_slice %arg5[%dma_start3A] : memref<2560xi32, #tpu.memory_space<vmem>> -> memref<128xi32, #tpu.memory_space<vmem>>
    %dma_start3A_8 = arith.constant 0 : i32
    %dma_start3A_9 = arith.constant 0 : i32
    %dma_start3A_10 = tpu.memref_slice %arg6[%dma_start3A_8, %dma_start3A_9] : memref<10240x128xi32, #tpu.memory_space<vmem_shared>> -> memref<10240x128xi32, #tpu.memory_space<vmem_shared>>
    tpu.enqueue_indirect_dma source(%dma_start3A_10 : memref<10240x128xi32, #tpu.memory_space<vmem_shared>>) target(%arg7 : memref<128x128xi32, #tpu.memory_space<vmem>>) offsets(%dma_start3A_7 : memref<128xi32, #tpu.memory_space<vmem>>) semaphore(%arg9 : memref<!tpu.dma_semaphore, #tpu.memory_space<semaphore_mem>>)
    %dma_start3A_11 = arith.constant 128 : i32
    %dma_start3A_12 = tpu.memref_slice %arg5[%dma_start3A_11] : memref<2560xi32, #tpu.memory_space<vmem>> -> memref<128xi32, #tpu.memory_space<vmem>>
    %dma_start3A_13 = arith.constant 0 : i32
    %dma_start3A_14 = arith.constant 0 : i32
    %dma_start3A_15 = tpu.memref_slice %arg6[%dma_start3A_13, %dma_start3A_14] : memref<10240x128xi32, #tpu.memory_space<vmem_shared>> -> memref<10240x128xi32, #tpu.memory_space<vmem_shared>>
    tpu.enqueue_indirect_dma source(%dma_start3A_15 : memref<10240x128xi32, #tpu.memory_space<vmem_shared>>) target(%arg8 : memref<128x128xi32, #tpu.memory_space<vmem>>) offsets(%dma_start3A_12 : memref<128xi32, #tpu.memory_space<vmem>>) semaphore(%arg10 : memref<!tpu.dma_semaphore, #tpu.memory_space<semaphore_mem>>)
    %dma_wait3A = arith.constant 0 : i32
    %dma_wait3A_16 = tpu.memref_slice %arg5[%dma_wait3A] : memref<2560xi32, #tpu.memory_space<vmem>> -> memref<128xi32, #tpu.memory_space<vmem>>
    %dma_wait3A_17 = arith.constant 0 : i32
    %dma_wait3A_18 = arith.constant 0 : i32
    %dma_wait3A_19 = tpu.memref_slice %arg6[%dma_wait3A_17, %dma_wait3A_18] : memref<10240x128xi32, #tpu.memory_space<vmem_shared>> -> memref<10240x128xi32, #tpu.memory_space<vmem_shared>>
    tpu.wait_indirect_dma semaphore(%arg9 : memref<!tpu.dma_semaphore, #tpu.memory_space<semaphore_mem>>) src(%dma_wait3A_19 : memref<10240x128xi32, #tpu.memory_space<vmem_shared>>) dst(%arg7 : memref<128x128xi32, #tpu.memory_space<vmem>>)
    %add3A_20 = arith.constant 0 : i32
    %add3A_21 = arith.addi %mul3A_2, %add3A_20 : i32
    %dma_start3A_22 = arith.constant 0 : i32
    %dma_start3A_23 = tpu.memref_slice %arg4[%add3A_21, %dma_start3A_22] : memref<81920x128xi32, #tpu.memory_space<hbm>> -> memref<128x128xi32, #tpu.memory_space<hbm>>
    %dma_start3A_24 = arith.constant 0 : i32
    %dma_start3A_25 = tpu.memref_slice %arg4[%add3A_21, %dma_start3A_24] : memref<81920x128xi32, #tpu.memory_space<hbm>> -> memref<128x128xi32, #tpu.memory_space<hbm>>
    tpu.enqueue_dma source(%arg7 : memref<128x128xi32, #tpu.memory_space<vmem>>) target(%dma_start3A_25 : memref<128x128xi32, #tpu.memory_space<hbm>>) target_semaphore(%arg11 : memref<!tpu.dma_semaphore, #tpu.memory_space<semaphore_mem>>)
    %dma_wait3A_26 = arith.constant 128 : i32
    %dma_wait3A_27 = tpu.memref_slice %arg5[%dma_wait3A_26] : memref<2560xi32, #tpu.memory_space<vmem>> -> memref<128xi32, #tpu.memory_space<vmem>>
    %dma_wait3A_28 = arith.constant 0 : i32
    %dma_wait3A_29 = arith.constant 0 : i32
    %dma_wait3A_30 = tpu.memref_slice %arg6[%dma_wait3A_28, %dma_wait3A_29] : memref<10240x128xi32, #tpu.memory_space<vmem_shared>> -> memref<10240x128xi32, #tpu.memory_space<vmem_shared>>
    tpu.wait_indirect_dma semaphore(%arg10 : memref<!tpu.dma_semaphore, #tpu.memory_space<semaphore_mem>>) src(%dma_wait3A_30 : memref<10240x128xi32, #tpu.memory_space<vmem_shared>>) dst(%arg8 : memref<128x128xi32, #tpu.memory_space<vmem>>)
    %add3A_31 = arith.constant 128 : i32
    %add3A_32 = arith.addi %mul3A_2, %add3A_31 : i32
    %dma_start3A_33 = arith.constant 0 : i32
    %dma_start3A_34 = tpu.memref_slice %arg4[%add3A_32, %dma_start3A_33] : memref<81920x128xi32, #tpu.memory_space<hbm>> -> memref<128x128xi32, #tpu.memory_space<hbm>>
    %dma_start3A_35 = arith.constant 0 : i32
    %dma_start3A_36 = tpu.memref_slice %arg4[%add3A_32, %dma_start3A_35] : memref<81920x128xi32, #tpu.memory_space<hbm>> -> memref<128x128xi32, #tpu.memory_space<hbm>>
    tpu.enqueue_dma source(%arg8 : memref<128x128xi32, #tpu.memory_space<vmem>>) target(%dma_start3A_36 : memref<128x128xi32, #tpu.memory_space<hbm>>) target_semaphore(%arg12 : memref<!tpu.dma_semaphore, #tpu.memory_space<semaphore_mem>>)
    %scan3A = arith.constant 0 : i32
    %scan3A_37 = arith.constant 1 : i32
    %scan3A_38 = arith.constant 9 : i32
    %scan3A_39 = arith.addi %scan3A_37, %scan3A_38 : i32
    %scan3A_40 = arith.constant 1 : i32
    %scan3A_41 = scf.for %scan3A_55 = %scan3A_37 to %scan3A_39 step %scan3A_40 iter_args(%scan3A_56 = %scan3A) -> (i32)  : i32 {
      %mul3A_57 = arith.constant 2 : i32
      %mul3A_58 = arith.muli %mul3A_57, %scan3A_55 : i32
      %add3A_59 = arith.constant 0 : i32
      %add3A_60 = arith.addi %mul3A_2, %add3A_59 : i32
      %dma_wait3A_61 = arith.constant 0 : i32
      %dma_wait3A_62 = tpu.memref_slice %arg4[%add3A_60, %dma_wait3A_61] : memref<81920x128xi32, #tpu.memory_space<hbm>> -> memref<128x128xi32, #tpu.memory_space<hbm>>
      %dma_wait3A_63 = arith.constant 0 : i32
      %dma_wait3A_64 = tpu.memref_slice %arg4[%add3A_60, %dma_wait3A_63] : memref<81920x128xi32, #tpu.memory_space<hbm>> -> memref<128x128xi32, #tpu.memory_space<hbm>>
      tpu.wait_dma2 semaphore(%arg11 : memref<!tpu.dma_semaphore, #tpu.memory_space<semaphore_mem>>) src(%arg7 : memref<128x128xi32, #tpu.memory_space<vmem>>) dst(%dma_wait3A_64 : memref<128x128xi32, #tpu.memory_space<hbm>>)
      %add3A_65 = arith.constant 0 : i32
      %add3A_66 = arith.addi %mul3A_58, %add3A_65 : i32
      %mul3A_67 = arith.constant 128 : i32
      %mul3A_68 = arith.muli %add3A_66, %mul3A_67 : i32
      %dma_start3A_69 = tpu.memref_slice %arg5[%mul3A_68] : memref<2560xi32, #tpu.memory_space<vmem>> -> memref<128xi32, #tpu.memory_space<vmem>>
      %dma_start3A_70 = arith.constant 0 : i32
      %dma_start3A_71 = arith.constant 0 : i32
      %dma_start3A_72 = tpu.memref_slice %arg6[%dma_start3A_70, %dma_start3A_71] : memref<10240x128xi32, #tpu.memory_space<vmem_shared>> -> memref<10240x128xi32, #tpu.memory_space<vmem_shared>>
      tpu.enqueue_indirect_dma source(%dma_start3A_72 : memref<10240x128xi32, #tpu.memory_space<vmem_shared>>) target(%arg7 : memref<128x128xi32, #tpu.memory_space<vmem>>) offsets(%dma_start3A_69 : memref<128xi32, #tpu.memory_space<vmem>>) semaphore(%arg9 : memref<!tpu.dma_semaphore, #tpu.memory_space<semaphore_mem>>)
      %add3A_73 = arith.constant 0 : i32
      %add3A_74 = arith.addi %mul3A_2, %add3A_73 : i32
      %dma_wait3A_75 = arith.constant 0 : i32
      %dma_wait3A_76 = tpu.memref_slice %arg4[%add3A_74, %dma_wait3A_75] : memref<81920x128xi32, #tpu.memory_space<hbm>> -> memref<128x128xi32, #tpu.memory_space<hbm>>
      %dma_wait3A_77 = arith.constant 0 : i32
      %dma_wait3A_78 = tpu.memref_slice %arg4[%add3A_74, %dma_wait3A_77] : memref<81920x128xi32, #tpu.memory_space<hbm>> -> memref<128x128xi32, #tpu.memory_space<hbm>>
      tpu.wait_dma2 semaphore(%arg12 : memref<!tpu.dma_semaphore, #tpu.memory_space<semaphore_mem>>) src(%arg8 : memref<128x128xi32, #tpu.memory_space<vmem>>) dst(%dma_wait3A_78 : memref<128x128xi32, #tpu.memory_space<hbm>>)
      %add3A_79 = arith.constant 1 : i32
      %add3A_80 = arith.addi %mul3A_58, %add3A_79 : i32
      %mul3A_81 = arith.constant 128 : i32
      %mul3A_82 = arith.muli %add3A_80, %mul3A_81 : i32
      %dma_start3A_83 = tpu.memref_slice %arg5[%mul3A_82] : memref<2560xi32, #tpu.memory_space<vmem>> -> memref<128xi32, #tpu.memory_space<vmem>>
      %dma_start3A_84 = arith.constant 0 : i32
      %dma_start3A_85 = arith.constant 0 : i32
      %dma_start3A_86 = tpu.memref_slice %arg6[%dma_start3A_84, %dma_start3A_85] : memref<10240x128xi32, #tpu.memory_space<vmem_shared>> -> memref<10240x128xi32, #tpu.memory_space<vmem_shared>>
      tpu.enqueue_indirect_dma source(%dma_start3A_86 : memref<10240x128xi32, #tpu.memory_space<vmem_shared>>) target(%arg8 : memref<128x128xi32, #tpu.memory_space<vmem>>) offsets(%dma_start3A_83 : memref<128xi32, #tpu.memory_space<vmem>>) semaphore(%arg10 : memref<!tpu.dma_semaphore, #tpu.memory_space<semaphore_mem>>)
      %add3A_87 = arith.constant 0 : i32
      %add3A_88 = arith.addi %mul3A_58, %add3A_87 : i32
      %mul3A_89 = arith.constant 128 : i32
      %mul3A_90 = arith.muli %add3A_88, %mul3A_89 : i32
      %dma_wait3A_91 = tpu.memref_slice %arg5[%mul3A_90] : memref<2560xi32, #tpu.memory_space<vmem>> -> memref<128xi32, #tpu.memory_space<vmem>>
      %dma_wait3A_92 = arith.constant 0 : i32
      %dma_wait3A_93 = arith.constant 0 : i32
      %dma_wait3A_94 = tpu.memref_slice %arg6[%dma_wait3A_92, %dma_wait3A_93] : memref<10240x128xi32, #tpu.memory_space<vmem_shared>> -> memref<10240x128xi32, #tpu.memory_space<vmem_shared>>
      tpu.wait_indirect_dma semaphore(%arg9 : memref<!tpu.dma_semaphore, #tpu.memory_space<semaphore_mem>>) src(%dma_wait3A_94 : memref<10240x128xi32, #tpu.memory_space<vmem_shared>>) dst(%arg7 : memref<128x128xi32, #tpu.memory_space<vmem>>)
      %add3A_95 = arith.constant 0 : i32
      %add3A_96 = arith.addi %mul3A_58, %add3A_95 : i32
      %mul3A_97 = arith.constant 128 : i32
      %mul3A_98 = arith.muli %add3A_96, %mul3A_97 : i32
      %add3A_99 = arith.addi %mul3A_2, %mul3A_98 : i32
      %dma_start3A_100 = arith.constant 0 : i32
      %dma_start3A_101 = tpu.memref_slice %arg4[%add3A_99, %dma_start3A_100] : memref<81920x128xi32, #tpu.memory_space<hbm>> -> memref<128x128xi32, #tpu.memory_space<hbm>>
      %dma_start3A_102 = arith.constant 0 : i32
      %dma_start3A_103 = tpu.memref_slice %arg4[%add3A_99, %dma_start3A_102] : memref<81920x128xi32, #tpu.memory_space<hbm>> -> memref<128x128xi32, #tpu.memory_space<hbm>>
      tpu.enqueue_dma source(%arg7 : memref<128x128xi32, #tpu.memory_space<vmem>>) target(%dma_start3A_103 : memref<128x128xi32, #tpu.memory_space<hbm>>) target_semaphore(%arg11 : memref<!tpu.dma_semaphore, #tpu.memory_space<semaphore_mem>>)
      %add3A_104 = arith.constant 1 : i32
      %add3A_105 = arith.addi %mul3A_58, %add3A_104 : i32
      %mul3A_106 = arith.constant 128 : i32
      %mul3A_107 = arith.muli %add3A_105, %mul3A_106 : i32
      %dma_wait3A_108 = tpu.memref_slice %arg5[%mul3A_107] : memref<2560xi32, #tpu.memory_space<vmem>> -> memref<128xi32, #tpu.memory_space<vmem>>
      %dma_wait3A_109 = arith.constant 0 : i32
      %dma_wait3A_110 = arith.constant 0 : i32
      %dma_wait3A_111 = tpu.memref_slice %arg6[%dma_wait3A_109, %dma_wait3A_110] : memref<10240x128xi32, #tpu.memory_space<vmem_shared>> -> memref<10240x128xi32, #tpu.memory_space<vmem_shared>>
      tpu.wait_indirect_dma semaphore(%arg10 : memref<!tpu.dma_semaphore, #tpu.memory_space<semaphore_mem>>) src(%dma_wait3A_111 : memref<10240x128xi32, #tpu.memory_space<vmem_shared>>) dst(%arg8 : memref<128x128xi32, #tpu.memory_space<vmem>>)
      %add3A_112 = arith.constant 1 : i32
      %add3A_113 = arith.addi %mul3A_58, %add3A_112 : i32
      %mul3A_114 = arith.constant 128 : i32
      %mul3A_115 = arith.muli %add3A_113, %mul3A_114 : i32
      %add3A_116 = arith.addi %mul3A_2, %mul3A_115 : i32
      %dma_start3A_117 = arith.constant 0 : i32
      %dma_start3A_118 = tpu.memref_slice %arg4[%add3A_116, %dma_start3A_117] : memref<81920x128xi32, #tpu.memory_space<hbm>> -> memref<128x128xi32, #tpu.memory_space<hbm>>
      %dma_start3A_119 = arith.constant 0 : i32
      %dma_start3A_120 = tpu.memref_slice %arg4[%add3A_116, %dma_start3A_119] : memref<81920x128xi32, #tpu.memory_space<hbm>> -> memref<128x128xi32, #tpu.memory_space<hbm>>
      tpu.enqueue_dma source(%arg8 : memref<128x128xi32, #tpu.memory_space<vmem>>) target(%dma_start3A_120 : memref<128x128xi32, #tpu.memory_space<hbm>>) target_semaphore(%arg12 : memref<!tpu.dma_semaphore, #tpu.memory_space<semaphore_mem>>)
      %scan3A_121 = arith.constant 0 : i32
      scf.yield %scan3A_121 : i32
    }
    %scan3A_42 = arith.constant 9 : i32
    %add3A_43 = arith.constant 0 : i32
    %add3A_44 = arith.addi %mul3A_2, %add3A_43 : i32
    %dma_wait3A_45 = arith.constant 0 : i32
    %dma_wait3A_46 = tpu.memref_slice %arg4[%add3A_44, %dma_wait3A_45] : memref<81920x128xi32, #tpu.memory_space<hbm>> -> memref<128x128xi32, #tpu.memory_space<hbm>>
    %dma_wait3A_47 = arith.constant 0 : i32
    %dma_wait3A_48 = tpu.memref_slice %arg4[%add3A_44, %dma_wait3A_47] : memref<81920x128xi32, #tpu.memory_space<hbm>> -> memref<128x128xi32, #tpu.memory_space<hbm>>
    tpu.wait_dma2 semaphore(%arg11 : memref<!tpu.dma_semaphore, #tpu.memory_space<semaphore_mem>>) src(%arg7 : memref<128x128xi32, #tpu.memory_space<vmem>>) dst(%dma_wait3A_48 : memref<128x128xi32, #tpu.memory_space<hbm>>)
    %add3A_49 = arith.constant 0 : i32
    %add3A_50 = arith.addi %mul3A_2, %add3A_49 : i32
    %dma_wait3A_51 = arith.constant 0 : i32
    %dma_wait3A_52 = tpu.memref_slice %arg4[%add3A_50, %dma_wait3A_51] : memref<81920x128xi32, #tpu.memory_space<hbm>> -> memref<128x128xi32, #tpu.memory_space<hbm>>
    %dma_wait3A_53 = arith.constant 0 : i32
    %dma_wait3A_54 = tpu.memref_slice %arg4[%add3A_50, %dma_wait3A_53] : memref<81920x128xi32, #tpu.memory_space<hbm>> -> memref<128x128xi32, #tpu.memory_space<hbm>>
    tpu.wait_dma2 semaphore(%arg12 : memref<!tpu.dma_semaphore, #tpu.memory_space<semaphore_mem>>) src(%arg8 : memref<128x128xi32, #tpu.memory_space<vmem>>) dst(%dma_wait3A_54 : memref<128x128xi32, #tpu.memory_space<hbm>>)
    return
  }
}

#map = affine_map<(d0, d1) -> (0)>
#map1 = affine_map<(d0, d1) -> (0, 0)>
module attributes {stable_mosaic.version = 14 : i64} {
  func.func @_gather_body(%arg0: i32, %arg1: i32, %arg2: memref<81920xi32, #tpu.memory_space<hbm>>, %arg3: memref<10240x128xi32, #tpu.memory_space<hbm>>, %arg4: memref<81920x128xi32, #tpu.memory_space<hbm>>, %arg5: memref<2560xi32, #tpu.memory_space<vmem>>, %arg6: memref<10240x128xi32, #tpu.memory_space<vmem_shared>>, %arg7: memref<128x128xi32, #tpu.memory_space<vmem>>, %arg8: memref<128x128xi32, #tpu.memory_space<vmem>>, %arg9: memref<!tpu.dma_semaphore, #tpu.memory_space<semaphore_mem>>, %arg10: memref<!tpu.dma_semaphore, #tpu.memory_space<semaphore_mem>>, %arg11: memref<!tpu.dma_semaphore, #tpu.memory_space<semaphore_mem>>, %arg12: memref<!tpu.dma_semaphore, #tpu.memory_space<semaphore_mem>>) attributes {dimension_semantics = [#tpu.dimension_semantics<core_parallel>, #tpu.dimension_semantics<subcore_parallel>], iteration_bounds = array<i64: 2, 16>, scalar_prefetch = 0 : i64, scratch_operands = 8 : i64, tpu.core_type = #tpu.core_type<sc_vector_subcore>, window_params = [{transform_indices = #map}, {transform_indices = #map1}, {transform_indices = #map1}]} {
    %mul3A = arith.constant 2 : i32
    %mul3A_0 = arith.muli %arg1, %mul3A : i32
    %add3A = arith.addi %mul3A_0, %arg0 : i32
    %mul3A_1 = arith.constant 2560 : i32
    %mul3A_2 = arith.muli %add3A, %mul3A_1 : i32
    %mul3A_3 = arith.constant 640 : i32
    %mul3A_4 = arith.muli %arg1, %mul3A_3 : i32
    %mul3A_5 = arith.constant 640 : i32
    %mul3A_6 = arith.muli %arg1, %mul3A_5 : i32
    "tpu.region"() ({
      %run_scoped3A = tpu.sem_alloc : memref<!tpu.dma_semaphore, #tpu.memory_space<semaphore_mem>>
      %dma_start3A_55 = arith.constant 0 : i32
      %dma_start3A_56 = tpu.memref_slice %arg6[%mul3A_6, %dma_start3A_55] : memref<10240x128xi32, #tpu.memory_space<vmem_shared>> -> memref<640x128xi32, #tpu.memory_space<vmem_shared>>
      %dma_start3A_57 = arith.constant 0 : i32
      %dma_start3A_58 = tpu.memref_slice %arg3[%mul3A_4, %dma_start3A_57] : memref<10240x128xi32, #tpu.memory_space<hbm>> -> memref<640x128xi32, #tpu.memory_space<hbm>>
      tpu.enqueue_dma source(%dma_start3A_58 : memref<640x128xi32, #tpu.memory_space<hbm>>) target(%dma_start3A_56 : memref<640x128xi32, #tpu.memory_space<vmem_shared>>) target_semaphore(%run_scoped3A : memref<!tpu.dma_semaphore, #tpu.memory_space<semaphore_mem>>)
      %dma_wait3A_59 = arith.constant 0 : i32
      %dma_wait3A_60 = tpu.memref_slice %arg6[%mul3A_6, %dma_wait3A_59] : memref<10240x128xi32, #tpu.memory_space<vmem_shared>> -> memref<640x128xi32, #tpu.memory_space<vmem_shared>>
      %dma_wait3A_61 = arith.constant 0 : i32
      %dma_wait3A_62 = tpu.memref_slice %arg3[%mul3A_4, %dma_wait3A_61] : memref<10240x128xi32, #tpu.memory_space<hbm>> -> memref<640x128xi32, #tpu.memory_space<hbm>>
      tpu.wait_dma2 semaphore(%run_scoped3A : memref<!tpu.dma_semaphore, #tpu.memory_space<semaphore_mem>>) src(%dma_wait3A_62 : memref<640x128xi32, #tpu.memory_space<hbm>>) dst(%dma_wait3A_60 : memref<640x128xi32, #tpu.memory_space<vmem_shared>>)
      tpu.yield
    }) : () -> ()
    %barrier3A = arith.constant 0 : index
    tpu.barrier barrier_id(%barrier3A)
    "tpu.region"() ({
      %run_scoped3A = tpu.sem_alloc : memref<!tpu.dma_semaphore, #tpu.memory_space<semaphore_mem>>
      %dma_start3A_55 = tpu.memref_slice %arg2[%mul3A_2] : memref<81920xi32, #tpu.memory_space<hbm>> -> memref<2560xi32, #tpu.memory_space<hbm>>
      %dma_start3A_56 = tpu.memref_slice %arg2[%mul3A_2] : memref<81920xi32, #tpu.memory_space<hbm>> -> memref<2560xi32, #tpu.memory_space<hbm>>
      tpu.enqueue_dma source(%dma_start3A_56 : memref<2560xi32, #tpu.memory_space<hbm>>) target(%arg5 : memref<2560xi32, #tpu.memory_space<vmem>>) target_semaphore(%run_scoped3A : memref<!tpu.dma_semaphore, #tpu.memory_space<semaphore_mem>>)
      %dma_wait3A_57 = tpu.memref_slice %arg2[%mul3A_2] : memref<81920xi32, #tpu.memory_space<hbm>> -> memref<2560xi32, #tpu.memory_space<hbm>>
      %dma_wait3A_58 = tpu.memref_slice %arg2[%mul3A_2] : memref<81920xi32, #tpu.memory_space<hbm>> -> memref<2560xi32, #tpu.memory_space<hbm>>
      tpu.wait_dma2 semaphore(%run_scoped3A : memref<!tpu.dma_semaphore, #tpu.memory_space<semaphore_mem>>) src(%dma_wait3A_58 : memref<2560xi32, #tpu.memory_space<hbm>>) dst(%arg5 : memref<2560xi32, #tpu.memory_space<vmem>>)
      tpu.yield
    }) : () -> ()
    %dma_start3A = arith.constant 0 : i32
    %dma_start3A_7 = tpu.memref_slice %arg5[%dma_start3A] : memref<2560xi32, #tpu.memory_space<vmem>> -> memref<128xi32, #tpu.memory_space<vmem>>
    %dma_start3A_8 = arith.constant 0 : i32
    %dma_start3A_9 = arith.constant 0 : i32
    %dma_start3A_10 = tpu.memref_slice %arg6[%dma_start3A_8, %dma_start3A_9] : memref<10240x128xi32, #tpu.memory_space<vmem_shared>> -> memref<10240x128xi32, #tpu.memory_space<vmem_shared>>
    tpu.enqueue_indirect_dma source(%dma_start3A_10 : memref<10240x128xi32, #tpu.memory_space<vmem_shared>>) target(%arg7 : memref<128x128xi32, #tpu.memory_space<vmem>>) offsets(%dma_start3A_7 : memref<128xi32, #tpu.memory_space<vmem>>) semaphore(%arg9 : memref<!tpu.dma_semaphore, #tpu.memory_space<semaphore_mem>>)
    %dma_start3A_11 = arith.constant 128 : i32
    %dma_start3A_12 = tpu.memref_slice %arg5[%dma_start3A_11] : memref<2560xi32, #tpu.memory_space<vmem>> -> memref<128xi32, #tpu.memory_space<vmem>>
    %dma_start3A_13 = arith.constant 0 : i32
    %dma_start3A_14 = arith.constant 0 : i32
    %dma_start3A_15 = tpu.memref_slice %arg6[%dma_start3A_13, %dma_start3A_14] : memref<10240x128xi32, #tpu.memory_space<vmem_shared>> -> memref<10240x128xi32, #tpu.memory_space<vmem_shared>>
    tpu.enqueue_indirect_dma source(%dma_start3A_15 : memref<10240x128xi32, #tpu.memory_space<vmem_shared>>) target(%arg8 : memref<128x128xi32, #tpu.memory_space<vmem>>) offsets(%dma_start3A_12 : memref<128xi32, #tpu.memory_space<vmem>>) semaphore(%arg10 : memref<!tpu.dma_semaphore, #tpu.memory_space<semaphore_mem>>)
    %dma_wait3A = arith.constant 0 : i32
    %dma_wait3A_16 = tpu.memref_slice %arg5[%dma_wait3A] : memref<2560xi32, #tpu.memory_space<vmem>> -> memref<128xi32, #tpu.memory_space<vmem>>
    %dma_wait3A_17 = arith.constant 0 : i32
    %dma_wait3A_18 = arith.constant 0 : i32
    %dma_wait3A_19 = tpu.memref_slice %arg6[%dma_wait3A_17, %dma_wait3A_18] : memref<10240x128xi32, #tpu.memory_space<vmem_shared>> -> memref<10240x128xi32, #tpu.memory_space<vmem_shared>>
    tpu.wait_indirect_dma semaphore(%arg9 : memref<!tpu.dma_semaphore, #tpu.memory_space<semaphore_mem>>) src(%dma_wait3A_19 : memref<10240x128xi32, #tpu.memory_space<vmem_shared>>) dst(%arg7 : memref<128x128xi32, #tpu.memory_space<vmem>>)
    %add3A_20 = arith.constant 0 : i32
    %add3A_21 = arith.addi %mul3A_2, %add3A_20 : i32
    %dma_start3A_22 = arith.constant 0 : i32
    %dma_start3A_23 = tpu.memref_slice %arg4[%add3A_21, %dma_start3A_22] : memref<81920x128xi32, #tpu.memory_space<hbm>> -> memref<128x128xi32, #tpu.memory_space<hbm>>
    %dma_start3A_24 = arith.constant 0 : i32
    %dma_start3A_25 = tpu.memref_slice %arg4[%add3A_21, %dma_start3A_24] : memref<81920x128xi32, #tpu.memory_space<hbm>> -> memref<128x128xi32, #tpu.memory_space<hbm>>
    tpu.enqueue_dma source(%arg7 : memref<128x128xi32, #tpu.memory_space<vmem>>) target(%dma_start3A_25 : memref<128x128xi32, #tpu.memory_space<hbm>>) target_semaphore(%arg11 : memref<!tpu.dma_semaphore, #tpu.memory_space<semaphore_mem>>)
    %dma_wait3A_26 = arith.constant 128 : i32
    %dma_wait3A_27 = tpu.memref_slice %arg5[%dma_wait3A_26] : memref<2560xi32, #tpu.memory_space<vmem>> -> memref<128xi32, #tpu.memory_space<vmem>>
    %dma_wait3A_28 = arith.constant 0 : i32
    %dma_wait3A_29 = arith.constant 0 : i32
    %dma_wait3A_30 = tpu.memref_slice %arg6[%dma_wait3A_28, %dma_wait3A_29] : memref<10240x128xi32, #tpu.memory_space<vmem_shared>> -> memref<10240x128xi32, #tpu.memory_space<vmem_shared>>
    tpu.wait_indirect_dma semaphore(%arg10 : memref<!tpu.dma_semaphore, #tpu.memory_space<semaphore_mem>>) src(%dma_wait3A_30 : memref<10240x128xi32, #tpu.memory_space<vmem_shared>>) dst(%arg8 : memref<128x128xi32, #tpu.memory_space<vmem>>)
    %add3A_31 = arith.constant 128 : i32
    %add3A_32 = arith.addi %mul3A_2, %add3A_31 : i32
    %dma_start3A_33 = arith.constant 0 : i32
    %dma_start3A_34 = tpu.memref_slice %arg4[%add3A_32, %dma_start3A_33] : memref<81920x128xi32, #tpu.memory_space<hbm>> -> memref<128x128xi32, #tpu.memory_space<hbm>>
    %dma_start3A_35 = arith.constant 0 : i32
    %dma_start3A_36 = tpu.memref_slice %arg4[%add3A_32, %dma_start3A_35] : memref<81920x128xi32, #tpu.memory_space<hbm>> -> memref<128x128xi32, #tpu.memory_space<hbm>>
    tpu.enqueue_dma source(%arg8 : memref<128x128xi32, #tpu.memory_space<vmem>>) target(%dma_start3A_36 : memref<128x128xi32, #tpu.memory_space<hbm>>) target_semaphore(%arg12 : memref<!tpu.dma_semaphore, #tpu.memory_space<semaphore_mem>>)
    %scan3A = arith.constant 0 : i32
    %scan3A_37 = arith.constant 1 : i32
    %scan3A_38 = arith.constant 9 : i32
    %scan3A_39 = arith.addi %scan3A_37, %scan3A_38 : i32
    %scan3A_40 = arith.constant 1 : i32
    %scan3A_41 = scf.for %scan3A_55 = %scan3A_37 to %scan3A_39 step %scan3A_40 iter_args(%scan3A_56 = %scan3A) -> (i32)  : i32 {
      %mul3A_57 = arith.constant 2 : i32
      %mul3A_58 = arith.muli %mul3A_57, %scan3A_55 : i32
      %add3A_59 = arith.constant 0 : i32
      %add3A_60 = arith.addi %mul3A_2, %add3A_59 : i32
      %dma_wait3A_61 = arith.constant 0 : i32
      %dma_wait3A_62 = tpu.memref_slice %arg4[%add3A_60, %dma_wait3A_61] : memref<81920x128xi32, #tpu.memory_space<hbm>> -> memref<128x128xi32, #tpu.memory_space<hbm>>
      %dma_wait3A_63 = arith.constant 0 : i32
      %dma_wait3A_64 = tpu.memref_slice %arg4[%add3A_60, %dma_wait3A_63] : memref<81920x128xi32, #tpu.memory_space<hbm>> -> memref<128x128xi32, #tpu.memory_space<hbm>>
      tpu.wait_dma2 semaphore(%arg11 : memref<!tpu.dma_semaphore, #tpu.memory_space<semaphore_mem>>) src(%arg7 : memref<128x128xi32, #tpu.memory_space<vmem>>) dst(%dma_wait3A_64 : memref<128x128xi32, #tpu.memory_space<hbm>>)
      %add3A_65 = arith.constant 0 : i32
      %add3A_66 = arith.addi %mul3A_58, %add3A_65 : i32
      %mul3A_67 = arith.constant 128 : i32
      %mul3A_68 = arith.muli %add3A_66, %mul3A_67 : i32
      %dma_start3A_69 = tpu.memref_slice %arg5[%mul3A_68] : memref<2560xi32, #tpu.memory_space<vmem>> -> memref<128xi32, #tpu.memory_space<vmem>>
      %dma_start3A_70 = arith.constant 0 : i32
      %dma_start3A_71 = arith.constant 0 : i32
      %dma_start3A_72 = tpu.memref_slice %arg6[%dma_start3A_70, %dma_start3A_71] : memref<10240x128xi32, #tpu.memory_space<vmem_shared>> -> memref<10240x128xi32, #tpu.memory_space<vmem_shared>>
      tpu.enqueue_indirect_dma source(%dma_start3A_72 : memref<10240x128xi32, #tpu.memory_space<vmem_shared>>) target(%arg7 : memref<128x128xi32, #tpu.memory_space<vmem>>) offsets(%dma_start3A_69 : memref<128xi32, #tpu.memory_space<vmem>>) semaphore(%arg9 : memref<!tpu.dma_semaphore, #tpu.memory_space<semaphore_mem>>)
      %add3A_73 = arith.constant 0 : i32
      %add3A_74 = arith.addi %mul3A_2, %add3A_73 : i32
      %dma_wait3A_75 = arith.constant 0 : i32
      %dma_wait3A_76 = tpu.memref_slice %arg4[%add3A_74, %dma_wait3A_75] : memref<81920x128xi32, #tpu.memory_space<hbm>> -> memref<128x128xi32, #tpu.memory_space<hbm>>
      %dma_wait3A_77 = arith.constant 0 : i32
      %dma_wait3A_78 = tpu.memref_slice %arg4[%add3A_74, %dma_wait3A_77] : memref<81920x128xi32, #tpu.memory_space<hbm>> -> memref<128x128xi32, #tpu.memory_space<hbm>>
      tpu.wait_dma2 semaphore(%arg12 : memref<!tpu.dma_semaphore, #tpu.memory_space<semaphore_mem>>) src(%arg8 : memref<128x128xi32, #tpu.memory_space<vmem>>) dst(%dma_wait3A_78 : memref<128x128xi32, #tpu.memory_space<hbm>>)
      %add3A_79 = arith.constant 1 : i32
      %add3A_80 = arith.addi %mul3A_58, %add3A_79 : i32
      %mul3A_81 = arith.constant 128 : i32
      %mul3A_82 = arith.muli %add3A_80, %mul3A_81 : i32
      %dma_start3A_83 = tpu.memref_slice %arg5[%mul3A_82] : memref<2560xi32, #tpu.memory_space<vmem>> -> memref<128xi32, #tpu.memory_space<vmem>>
      %dma_start3A_84 = arith.constant 0 : i32
      %dma_start3A_85 = arith.constant 0 : i32
      %dma_start3A_86 = tpu.memref_slice %arg6[%dma_start3A_84, %dma_start3A_85] : memref<10240x128xi32, #tpu.memory_space<vmem_shared>> -> memref<10240x128xi32, #tpu.memory_space<vmem_shared>>
      tpu.enqueue_indirect_dma source(%dma_start3A_86 : memref<10240x128xi32, #tpu.memory_space<vmem_shared>>) target(%arg8 : memref<128x128xi32, #tpu.memory_space<vmem>>) offsets(%dma_start3A_83 : memref<128xi32, #tpu.memory_space<vmem>>) semaphore(%arg10 : memref<!tpu.dma_semaphore, #tpu.memory_space<semaphore_mem>>)
      %add3A_87 = arith.constant 0 : i32
      %add3A_88 = arith.addi %mul3A_58, %add3A_87 : i32
      %mul3A_89 = arith.constant 128 : i32
      %mul3A_90 = arith.muli %add3A_88, %mul3A_89 : i32
      %dma_wait3A_91 = tpu.memref_slice %arg5[%mul3A_90] : memref<2560xi32, #tpu.memory_space<vmem>> -> memref<128xi32, #tpu.memory_space<vmem>>
      %dma_wait3A_92 = arith.constant 0 : i32
      %dma_wait3A_93 = arith.constant 0 : i32
      %dma_wait3A_94 = tpu.memref_slice %arg6[%dma_wait3A_92, %dma_wait3A_93] : memref<10240x128xi32, #tpu.memory_space<vmem_shared>> -> memref<10240x128xi32, #tpu.memory_space<vmem_shared>>
      tpu.wait_indirect_dma semaphore(%arg9 : memref<!tpu.dma_semaphore, #tpu.memory_space<semaphore_mem>>) src(%dma_wait3A_94 : memref<10240x128xi32, #tpu.memory_space<vmem_shared>>) dst(%arg7 : memref<128x128xi32, #tpu.memory_space<vmem>>)
      %add3A_95 = arith.constant 0 : i32
      %add3A_96 = arith.addi %mul3A_58, %add3A_95 : i32
      %mul3A_97 = arith.constant 128 : i32
      %mul3A_98 = arith.muli %add3A_96, %mul3A_97 : i32
      %add3A_99 = arith.addi %mul3A_2, %mul3A_98 : i32
      %dma_start3A_100 = arith.constant 0 : i32
      %dma_start3A_101 = tpu.memref_slice %arg4[%add3A_99, %dma_start3A_100] : memref<81920x128xi32, #tpu.memory_space<hbm>> -> memref<128x128xi32, #tpu.memory_space<hbm>>
      %dma_start3A_102 = arith.constant 0 : i32
      %dma_start3A_103 = tpu.memref_slice %arg4[%add3A_99, %dma_start3A_102] : memref<81920x128xi32, #tpu.memory_space<hbm>> -> memref<128x128xi32, #tpu.memory_space<hbm>>
      tpu.enqueue_dma source(%arg7 : memref<128x128xi32, #tpu.memory_space<vmem>>) target(%dma_start3A_103 : memref<128x128xi32, #tpu.memory_space<hbm>>) target_semaphore(%arg11 : memref<!tpu.dma_semaphore, #tpu.memory_space<semaphore_mem>>)
      %add3A_104 = arith.constant 1 : i32
      %add3A_105 = arith.addi %mul3A_58, %add3A_104 : i32
      %mul3A_106 = arith.constant 128 : i32
      %mul3A_107 = arith.muli %add3A_105, %mul3A_106 : i32
      %dma_wait3A_108 = tpu.memref_slice %arg5[%mul3A_107] : memref<2560xi32, #tpu.memory_space<vmem>> -> memref<128xi32, #tpu.memory_space<vmem>>
      %dma_wait3A_109 = arith.constant 0 : i32
      %dma_wait3A_110 = arith.constant 0 : i32
      %dma_wait3A_111 = tpu.memref_slice %arg6[%dma_wait3A_109, %dma_wait3A_110] : memref<10240x128xi32, #tpu.memory_space<vmem_shared>> -> memref<10240x128xi32, #tpu.memory_space<vmem_shared>>
      tpu.wait_indirect_dma semaphore(%arg10 : memref<!tpu.dma_semaphore, #tpu.memory_space<semaphore_mem>>) src(%dma_wait3A_111 : memref<10240x128xi32, #tpu.memory_space<vmem_shared>>) dst(%arg8 : memref<128x128xi32, #tpu.memory_space<vmem>>)
      %add3A_112 = arith.constant 1 : i32
      %add3A_113 = arith.addi %mul3A_58, %add3A_112 : i32
      %mul3A_114 = arith.constant 128 : i32
      %mul3A_115 = arith.muli %add3A_113, %mul3A_114 : i32
      %add3A_116 = arith.addi %mul3A_2, %mul3A_115 : i32
      %dma_start3A_117 = arith.constant 0 : i32
      %dma_start3A_118 = tpu.memref_slice %arg4[%add3A_116, %dma_start3A_117] : memref<81920x128xi32, #tpu.memory_space<hbm>> -> memref<128x128xi32, #tpu.memory_space<hbm>>
      %dma_start3A_119 = arith.constant 0 : i32
      %dma_start3A_120 = tpu.memref_slice %arg4[%add3A_116, %dma_start3A_119] : memref<81920x128xi32, #tpu.memory_space<hbm>> -> memref<128x128xi32, #tpu.memory_space<hbm>>
      tpu.enqueue_dma source(%arg8 : memref<128x128xi32, #tpu.memory_space<vmem>>) target(%dma_start3A_120 : memref<128x128xi32, #tpu.memory_space<hbm>>) target_semaphore(%arg12 : memref<!tpu.dma_semaphore, #tpu.memory_space<semaphore_mem>>)
      %scan3A_121 = arith.constant 0 : i32
      scf.yield %scan3A_121 : i32
    }
    %scan3A_42 = arith.constant 9 : i32
    %add3A_43 = arith.constant 0 : i32
    %add3A_44 = arith.addi %mul3A_2, %add3A_43 : i32
    %dma_wait3A_45 = arith.constant 0 : i32
    %dma_wait3A_46 = tpu.memref_slice %arg4[%add3A_44, %dma_wait3A_45] : memref<81920x128xi32, #tpu.memory_space<hbm>> -> memref<128x128xi32, #tpu.memory_space<hbm>>
    %dma_wait3A_47 = arith.constant 0 : i32
    %dma_wait3A_48 = tpu.memref_slice %arg4[%add3A_44, %dma_wait3A_47] : memref<81920x128xi32, #tpu.memory_space<hbm>> -> memref<128x128xi32, #tpu.memory_space<hbm>>
    tpu.wait_dma2 semaphore(%arg11 : memref<!tpu.dma_semaphore, #tpu.memory_space<semaphore_mem>>) src(%arg7 : memref<128x128xi32, #tpu.memory_space<vmem>>) dst(%dma_wait3A_48 : memref<128x128xi32, #tpu.memory_space<hbm>>)
    %add3A_49 = arith.constant 0 : i32
    %add3A_50 = arith.addi %mul3A_2, %add3A_49 : i32
    %dma_wait3A_51 = arith.constant 0 : i32
    %dma_wait3A_52 = tpu.memref_slice %arg4[%add3A_50, %dma_wait3A_51] : memref<81920x128xi32, #tpu.memory_space<hbm>> -> memref<128x128xi32, #tpu.memory_space<hbm>>
    %dma_wait3A_53 = arith.constant 0 : i32
    %dma_wait3A_54 = tpu.memref_slice %arg4[%add3A_50, %dma_wait3A_53] : memref<81920x128xi32, #tpu.memory_space<hbm>> -> memref<128x128xi32, #tpu.memory_space<hbm>>
    tpu.wait_dma2 semaphore(%arg12 : memref<!tpu.dma_semaphore, #tpu.memory_space<semaphore_mem>>) src(%arg8 : memref<128x128xi32, #tpu.memory_space<vmem>>) dst(%dma_wait3A_54 : memref<128x128xi32, #tpu.memory_space<hbm>>)
    return
  }
}

#map = affine_map<(d0, d1) -> (0)>
#map1 = affine_map<(d0, d1) -> (0, 0)>
module attributes {stable_mosaic.version = 14 : i64} {
  func.func @_gather_body(%arg0: i32, %arg1: i32, %arg2: memref<81920xi32, #tpu.memory_space<hbm>>, %arg3: memref<10240x128xi32, #tpu.memory_space<hbm>>, %arg4: memref<81920x128xi32, #tpu.memory_space<hbm>>, %arg5: memref<2560xi32, #tpu.memory_space<vmem>>, %arg6: memref<10240x128xi32, #tpu.memory_space<vmem_shared>>, %arg7: memref<128x128xi32, #tpu.memory_space<vmem>>, %arg8: memref<128x128xi32, #tpu.memory_space<vmem>>, %arg9: memref<!tpu.dma_semaphore, #tpu.memory_space<semaphore_mem>>, %arg10: memref<!tpu.dma_semaphore, #tpu.memory_space<semaphore_mem>>, %arg11: memref<!tpu.dma_semaphore, #tpu.memory_space<semaphore_mem>>, %arg12: memref<!tpu.dma_semaphore, #tpu.memory_space<semaphore_mem>>) attributes {dimension_semantics = [#tpu.dimension_semantics<core_parallel>, #tpu.dimension_semantics<subcore_parallel>], iteration_bounds = array<i64: 2, 16>, scalar_prefetch = 0 : i64, scratch_operands = 8 : i64, tpu.core_type = #tpu.core_type<sc_vector_subcore>, window_params = [{transform_indices = #map}, {transform_indices = #map1}, {transform_indices = #map1}]} {
    %mul3A = arith.constant 2 : i32
    %mul3A_0 = arith.muli %arg1, %mul3A : i32
    %add3A = arith.addi %mul3A_0, %arg0 : i32
    %mul3A_1 = arith.constant 2560 : i32
    %mul3A_2 = arith.muli %add3A, %mul3A_1 : i32
    %mul3A_3 = arith.constant 640 : i32
    %mul3A_4 = arith.muli %arg1, %mul3A_3 : i32
    %mul3A_5 = arith.constant 640 : i32
    %mul3A_6 = arith.muli %arg1, %mul3A_5 : i32
    "tpu.region"() ({
      %run_scoped3A = tpu.sem_alloc : memref<!tpu.dma_semaphore, #tpu.memory_space<semaphore_mem>>
      %dma_start3A_55 = arith.constant 0 : i32
      %dma_start3A_56 = tpu.memref_slice %arg6[%mul3A_6, %dma_start3A_55] : memref<10240x128xi32, #tpu.memory_space<vmem_shared>> -> memref<640x128xi32, #tpu.memory_space<vmem_shared>>
      %dma_start3A_57 = arith.constant 0 : i32
      %dma_start3A_58 = tpu.memref_slice %arg3[%mul3A_4, %dma_start3A_57] : memref<10240x128xi32, #tpu.memory_space<hbm>> -> memref<640x128xi32, #tpu.memory_space<hbm>>
      tpu.enqueue_dma source(%dma_start3A_58 : memref<640x128xi32, #tpu.memory_space<hbm>>) target(%dma_start3A_56 : memref<640x128xi32, #tpu.memory_space<vmem_shared>>) target_semaphore(%run_scoped3A : memref<!tpu.dma_semaphore, #tpu.memory_space<semaphore_mem>>)
      %dma_wait3A_59 = arith.constant 0 : i32
      %dma_wait3A_60 = tpu.memref_slice %arg6[%mul3A_6, %dma_wait3A_59] : memref<10240x128xi32, #tpu.memory_space<vmem_shared>> -> memref<640x128xi32, #tpu.memory_space<vmem_shared>>
      %dma_wait3A_61 = arith.constant 0 : i32
      %dma_wait3A_62 = tpu.memref_slice %arg3[%mul3A_4, %dma_wait3A_61] : memref<10240x128xi32, #tpu.memory_space<hbm>> -> memref<640x128xi32, #tpu.memory_space<hbm>>
      tpu.wait_dma2 semaphore(%run_scoped3A : memref<!tpu.dma_semaphore, #tpu.memory_space<semaphore_mem>>) src(%dma_wait3A_62 : memref<640x128xi32, #tpu.memory_space<hbm>>) dst(%dma_wait3A_60 : memref<640x128xi32, #tpu.memory_space<vmem_shared>>)
      tpu.yield
    }) : () -> ()
    %barrier3A = arith.constant 0 : index
    tpu.barrier barrier_id(%barrier3A)
    "tpu.region"() ({
      %run_scoped3A = tpu.sem_alloc : memref<!tpu.dma_semaphore, #tpu.memory_space<semaphore_mem>>
      %dma_start3A_55 = tpu.memref_slice %arg2[%mul3A_2] : memref<81920xi32, #tpu.memory_space<hbm>> -> memref<2560xi32, #tpu.memory_space<hbm>>
      %dma_start3A_56 = tpu.memref_slice %arg2[%mul3A_2] : memref<81920xi32, #tpu.memory_space<hbm>> -> memref<2560xi32, #tpu.memory_space<hbm>>
      tpu.enqueue_dma source(%dma_start3A_56 : memref<2560xi32, #tpu.memory_space<hbm>>) target(%arg5 : memref<2560xi32, #tpu.memory_space<vmem>>) target_semaphore(%run_scoped3A : memref<!tpu.dma_semaphore, #tpu.memory_space<semaphore_mem>>)
      %dma_wait3A_57 = tpu.memref_slice %arg2[%mul3A_2] : memref<81920xi32, #tpu.memory_space<hbm>> -> memref<2560xi32, #tpu.memory_space<hbm>>
      %dma_wait3A_58 = tpu.memref_slice %arg2[%mul3A_2] : memref<81920xi32, #tpu.memory_space<hbm>> -> memref<2560xi32, #tpu.memory_space<hbm>>
      tpu.wait_dma2 semaphore(%run_scoped3A : memref<!tpu.dma_semaphore, #tpu.memory_space<semaphore_mem>>) src(%dma_wait3A_58 : memref<2560xi32, #tpu.memory_space<hbm>>) dst(%arg5 : memref<2560xi32, #tpu.memory_space<vmem>>)
      tpu.yield
    }) : () -> ()
    %dma_start3A = arith.constant 0 : i32
    %dma_start3A_7 = tpu.memref_slice %arg5[%dma_start3A] : memref<2560xi32, #tpu.memory_space<vmem>> -> memref<128xi32, #tpu.memory_space<vmem>>
    %dma_start3A_8 = arith.constant 0 : i32
    %dma_start3A_9 = arith.constant 0 : i32
    %dma_start3A_10 = tpu.memref_slice %arg6[%dma_start3A_8, %dma_start3A_9] : memref<10240x128xi32, #tpu.memory_space<vmem_shared>> -> memref<10240x128xi32, #tpu.memory_space<vmem_shared>>
    tpu.enqueue_indirect_dma source(%dma_start3A_10 : memref<10240x128xi32, #tpu.memory_space<vmem_shared>>) target(%arg7 : memref<128x128xi32, #tpu.memory_space<vmem>>) offsets(%dma_start3A_7 : memref<128xi32, #tpu.memory_space<vmem>>) semaphore(%arg9 : memref<!tpu.dma_semaphore, #tpu.memory_space<semaphore_mem>>)
    %dma_start3A_11 = arith.constant 128 : i32
    %dma_start3A_12 = tpu.memref_slice %arg5[%dma_start3A_11] : memref<2560xi32, #tpu.memory_space<vmem>> -> memref<128xi32, #tpu.memory_space<vmem>>
    %dma_start3A_13 = arith.constant 0 : i32
    %dma_start3A_14 = arith.constant 0 : i32
    %dma_start3A_15 = tpu.memref_slice %arg6[%dma_start3A_13, %dma_start3A_14] : memref<10240x128xi32, #tpu.memory_space<vmem_shared>> -> memref<10240x128xi32, #tpu.memory_space<vmem_shared>>
    tpu.enqueue_indirect_dma source(%dma_start3A_15 : memref<10240x128xi32, #tpu.memory_space<vmem_shared>>) target(%arg8 : memref<128x128xi32, #tpu.memory_space<vmem>>) offsets(%dma_start3A_12 : memref<128xi32, #tpu.memory_space<vmem>>) semaphore(%arg10 : memref<!tpu.dma_semaphore, #tpu.memory_space<semaphore_mem>>)
    %dma_wait3A = arith.constant 0 : i32
    %dma_wait3A_16 = tpu.memref_slice %arg5[%dma_wait3A] : memref<2560xi32, #tpu.memory_space<vmem>> -> memref<128xi32, #tpu.memory_space<vmem>>
    %dma_wait3A_17 = arith.constant 0 : i32
    %dma_wait3A_18 = arith.constant 0 : i32
    %dma_wait3A_19 = tpu.memref_slice %arg6[%dma_wait3A_17, %dma_wait3A_18] : memref<10240x128xi32, #tpu.memory_space<vmem_shared>> -> memref<10240x128xi32, #tpu.memory_space<vmem_shared>>
    tpu.wait_indirect_dma semaphore(%arg9 : memref<!tpu.dma_semaphore, #tpu.memory_space<semaphore_mem>>) src(%dma_wait3A_19 : memref<10240x128xi32, #tpu.memory_space<vmem_shared>>) dst(%arg7 : memref<128x128xi32, #tpu.memory_space<vmem>>)
    %add3A_20 = arith.constant 0 : i32
    %add3A_21 = arith.addi %mul3A_2, %add3A_20 : i32
    %dma_start3A_22 = arith.constant 0 : i32
    %dma_start3A_23 = tpu.memref_slice %arg4[%add3A_21, %dma_start3A_22] : memref<81920x128xi32, #tpu.memory_space<hbm>> -> memref<128x128xi32, #tpu.memory_space<hbm>>
    %dma_start3A_24 = arith.constant 0 : i32
    %dma_start3A_25 = tpu.memref_slice %arg4[%add3A_21, %dma_start3A_24] : memref<81920x128xi32, #tpu.memory_space<hbm>> -> memref<128x128xi32, #tpu.memory_space<hbm>>
    tpu.enqueue_dma source(%arg7 : memref<128x128xi32, #tpu.memory_space<vmem>>) target(%dma_start3A_25 : memref<128x128xi32, #tpu.memory_space<hbm>>) target_semaphore(%arg11 : memref<!tpu.dma_semaphore, #tpu.memory_space<semaphore_mem>>)
    %dma_wait3A_26 = arith.constant 128 : i32
    %dma_wait3A_27 = tpu.memref_slice %arg5[%dma_wait3A_26] : memref<2560xi32, #tpu.memory_space<vmem>> -> memref<128xi32, #tpu.memory_space<vmem>>
    %dma_wait3A_28 = arith.constant 0 : i32
    %dma_wait3A_29 = arith.constant 0 : i32
    %dma_wait3A_30 = tpu.memref_slice %arg6[%dma_wait3A_28, %dma_wait3A_29] : memref<10240x128xi32, #tpu.memory_space<vmem_shared>> -> memref<10240x128xi32, #tpu.memory_space<vmem_shared>>
    tpu.wait_indirect_dma semaphore(%arg10 : memref<!tpu.dma_semaphore, #tpu.memory_space<semaphore_mem>>) src(%dma_wait3A_30 : memref<10240x128xi32, #tpu.memory_space<vmem_shared>>) dst(%arg8 : memref<128x128xi32, #tpu.memory_space<vmem>>)
    %add3A_31 = arith.constant 128 : i32
    %add3A_32 = arith.addi %mul3A_2, %add3A_31 : i32
    %dma_start3A_33 = arith.constant 0 : i32
    %dma_start3A_34 = tpu.memref_slice %arg4[%add3A_32, %dma_start3A_33] : memref<81920x128xi32, #tpu.memory_space<hbm>> -> memref<128x128xi32, #tpu.memory_space<hbm>>
    %dma_start3A_35 = arith.constant 0 : i32
    %dma_start3A_36 = tpu.memref_slice %arg4[%add3A_32, %dma_start3A_35] : memref<81920x128xi32, #tpu.memory_space<hbm>> -> memref<128x128xi32, #tpu.memory_space<hbm>>
    tpu.enqueue_dma source(%arg8 : memref<128x128xi32, #tpu.memory_space<vmem>>) target(%dma_start3A_36 : memref<128x128xi32, #tpu.memory_space<hbm>>) target_semaphore(%arg12 : memref<!tpu.dma_semaphore, #tpu.memory_space<semaphore_mem>>)
    %scan3A = arith.constant 0 : i32
    %scan3A_37 = arith.constant 1 : i32
    %scan3A_38 = arith.constant 9 : i32
    %scan3A_39 = arith.addi %scan3A_37, %scan3A_38 : i32
    %scan3A_40 = arith.constant 1 : i32
    %scan3A_41 = scf.for %scan3A_55 = %scan3A_37 to %scan3A_39 step %scan3A_40 iter_args(%scan3A_56 = %scan3A) -> (i32)  : i32 {
      %mul3A_57 = arith.constant 2 : i32
      %mul3A_58 = arith.muli %mul3A_57, %scan3A_55 : i32
      %add3A_59 = arith.constant 0 : i32
      %add3A_60 = arith.addi %mul3A_2, %add3A_59 : i32
      %dma_wait3A_61 = arith.constant 0 : i32
      %dma_wait3A_62 = tpu.memref_slice %arg4[%add3A_60, %dma_wait3A_61] : memref<81920x128xi32, #tpu.memory_space<hbm>> -> memref<128x128xi32, #tpu.memory_space<hbm>>
      %dma_wait3A_63 = arith.constant 0 : i32
      %dma_wait3A_64 = tpu.memref_slice %arg4[%add3A_60, %dma_wait3A_63] : memref<81920x128xi32, #tpu.memory_space<hbm>> -> memref<128x128xi32, #tpu.memory_space<hbm>>
      tpu.wait_dma2 semaphore(%arg11 : memref<!tpu.dma_semaphore, #tpu.memory_space<semaphore_mem>>) src(%arg7 : memref<128x128xi32, #tpu.memory_space<vmem>>) dst(%dma_wait3A_64 : memref<128x128xi32, #tpu.memory_space<hbm>>)
      %add3A_65 = arith.constant 0 : i32
      %add3A_66 = arith.addi %mul3A_58, %add3A_65 : i32
      %mul3A_67 = arith.constant 128 : i32
      %mul3A_68 = arith.muli %add3A_66, %mul3A_67 : i32
      %dma_start3A_69 = tpu.memref_slice %arg5[%mul3A_68] : memref<2560xi32, #tpu.memory_space<vmem>> -> memref<128xi32, #tpu.memory_space<vmem>>
      %dma_start3A_70 = arith.constant 0 : i32
      %dma_start3A_71 = arith.constant 0 : i32
      %dma_start3A_72 = tpu.memref_slice %arg6[%dma_start3A_70, %dma_start3A_71] : memref<10240x128xi32, #tpu.memory_space<vmem_shared>> -> memref<10240x128xi32, #tpu.memory_space<vmem_shared>>
      tpu.enqueue_indirect_dma source(%dma_start3A_72 : memref<10240x128xi32, #tpu.memory_space<vmem_shared>>) target(%arg7 : memref<128x128xi32, #tpu.memory_space<vmem>>) offsets(%dma_start3A_69 : memref<128xi32, #tpu.memory_space<vmem>>) semaphore(%arg9 : memref<!tpu.dma_semaphore, #tpu.memory_space<semaphore_mem>>)
      %add3A_73 = arith.constant 0 : i32
      %add3A_74 = arith.addi %mul3A_2, %add3A_73 : i32
      %dma_wait3A_75 = arith.constant 0 : i32
      %dma_wait3A_76 = tpu.memref_slice %arg4[%add3A_74, %dma_wait3A_75] : memref<81920x128xi32, #tpu.memory_space<hbm>> -> memref<128x128xi32, #tpu.memory_space<hbm>>
      %dma_wait3A_77 = arith.constant 0 : i32
      %dma_wait3A_78 = tpu.memref_slice %arg4[%add3A_74, %dma_wait3A_77] : memref<81920x128xi32, #tpu.memory_space<hbm>> -> memref<128x128xi32, #tpu.memory_space<hbm>>
      tpu.wait_dma2 semaphore(%arg12 : memref<!tpu.dma_semaphore, #tpu.memory_space<semaphore_mem>>) src(%arg8 : memref<128x128xi32, #tpu.memory_space<vmem>>) dst(%dma_wait3A_78 : memref<128x128xi32, #tpu.memory_space<hbm>>)
      %add3A_79 = arith.constant 1 : i32
      %add3A_80 = arith.addi %mul3A_58, %add3A_79 : i32
      %mul3A_81 = arith.constant 128 : i32
      %mul3A_82 = arith.muli %add3A_80, %mul3A_81 : i32
      %dma_start3A_83 = tpu.memref_slice %arg5[%mul3A_82] : memref<2560xi32, #tpu.memory_space<vmem>> -> memref<128xi32, #tpu.memory_space<vmem>>
      %dma_start3A_84 = arith.constant 0 : i32
      %dma_start3A_85 = arith.constant 0 : i32
      %dma_start3A_86 = tpu.memref_slice %arg6[%dma_start3A_84, %dma_start3A_85] : memref<10240x128xi32, #tpu.memory_space<vmem_shared>> -> memref<10240x128xi32, #tpu.memory_space<vmem_shared>>
      tpu.enqueue_indirect_dma source(%dma_start3A_86 : memref<10240x128xi32, #tpu.memory_space<vmem_shared>>) target(%arg8 : memref<128x128xi32, #tpu.memory_space<vmem>>) offsets(%dma_start3A_83 : memref<128xi32, #tpu.memory_space<vmem>>) semaphore(%arg10 : memref<!tpu.dma_semaphore, #tpu.memory_space<semaphore_mem>>)
      %add3A_87 = arith.constant 0 : i32
      %add3A_88 = arith.addi %mul3A_58, %add3A_87 : i32
      %mul3A_89 = arith.constant 128 : i32
      %mul3A_90 = arith.muli %add3A_88, %mul3A_89 : i32
      %dma_wait3A_91 = tpu.memref_slice %arg5[%mul3A_90] : memref<2560xi32, #tpu.memory_space<vmem>> -> memref<128xi32, #tpu.memory_space<vmem>>
      %dma_wait3A_92 = arith.constant 0 : i32
      %dma_wait3A_93 = arith.constant 0 : i32
      %dma_wait3A_94 = tpu.memref_slice %arg6[%dma_wait3A_92, %dma_wait3A_93] : memref<10240x128xi32, #tpu.memory_space<vmem_shared>> -> memref<10240x128xi32, #tpu.memory_space<vmem_shared>>
      tpu.wait_indirect_dma semaphore(%arg9 : memref<!tpu.dma_semaphore, #tpu.memory_space<semaphore_mem>>) src(%dma_wait3A_94 : memref<10240x128xi32, #tpu.memory_space<vmem_shared>>) dst(%arg7 : memref<128x128xi32, #tpu.memory_space<vmem>>)
      %add3A_95 = arith.constant 0 : i32
      %add3A_96 = arith.addi %mul3A_58, %add3A_95 : i32
      %mul3A_97 = arith.constant 128 : i32
      %mul3A_98 = arith.muli %add3A_96, %mul3A_97 : i32
      %add3A_99 = arith.addi %mul3A_2, %mul3A_98 : i32
      %dma_start3A_100 = arith.constant 0 : i32
      %dma_start3A_101 = tpu.memref_slice %arg4[%add3A_99, %dma_start3A_100] : memref<81920x128xi32, #tpu.memory_space<hbm>> -> memref<128x128xi32, #tpu.memory_space<hbm>>
      %dma_start3A_102 = arith.constant 0 : i32
      %dma_start3A_103 = tpu.memref_slice %arg4[%add3A_99, %dma_start3A_102] : memref<81920x128xi32, #tpu.memory_space<hbm>> -> memref<128x128xi32, #tpu.memory_space<hbm>>
      tpu.enqueue_dma source(%arg7 : memref<128x128xi32, #tpu.memory_space<vmem>>) target(%dma_start3A_103 : memref<128x128xi32, #tpu.memory_space<hbm>>) target_semaphore(%arg11 : memref<!tpu.dma_semaphore, #tpu.memory_space<semaphore_mem>>)
      %add3A_104 = arith.constant 1 : i32
      %add3A_105 = arith.addi %mul3A_58, %add3A_104 : i32
      %mul3A_106 = arith.constant 128 : i32
      %mul3A_107 = arith.muli %add3A_105, %mul3A_106 : i32
      %dma_wait3A_108 = tpu.memref_slice %arg5[%mul3A_107] : memref<2560xi32, #tpu.memory_space<vmem>> -> memref<128xi32, #tpu.memory_space<vmem>>
      %dma_wait3A_109 = arith.constant 0 : i32
      %dma_wait3A_110 = arith.constant 0 : i32
      %dma_wait3A_111 = tpu.memref_slice %arg6[%dma_wait3A_109, %dma_wait3A_110] : memref<10240x128xi32, #tpu.memory_space<vmem_shared>> -> memref<10240x128xi32, #tpu.memory_space<vmem_shared>>
      tpu.wait_indirect_dma semaphore(%arg10 : memref<!tpu.dma_semaphore, #tpu.memory_space<semaphore_mem>>) src(%dma_wait3A_111 : memref<10240x128xi32, #tpu.memory_space<vmem_shared>>) dst(%arg8 : memref<128x128xi32, #tpu.memory_space<vmem>>)
      %add3A_112 = arith.constant 1 : i32
      %add3A_113 = arith.addi %mul3A_58, %add3A_112 : i32
      %mul3A_114 = arith.constant 128 : i32
      %mul3A_115 = arith.muli %add3A_113, %mul3A_114 : i32
      %add3A_116 = arith.addi %mul3A_2, %mul3A_115 : i32
      %dma_start3A_117 = arith.constant 0 : i32
      %dma_start3A_118 = tpu.memref_slice %arg4[%add3A_116, %dma_start3A_117] : memref<81920x128xi32, #tpu.memory_space<hbm>> -> memref<128x128xi32, #tpu.memory_space<hbm>>
      %dma_start3A_119 = arith.constant 0 : i32
      %dma_start3A_120 = tpu.memref_slice %arg4[%add3A_116, %dma_start3A_119] : memref<81920x128xi32, #tpu.memory_space<hbm>> -> memref<128x128xi32, #tpu.memory_space<hbm>>
      tpu.enqueue_dma source(%arg8 : memref<128x128xi32, #tpu.memory_space<vmem>>) target(%dma_start3A_120 : memref<128x128xi32, #tpu.memory_space<hbm>>) target_semaphore(%arg12 : memref<!tpu.dma_semaphore, #tpu.memory_space<semaphore_mem>>)
      %scan3A_121 = arith.constant 0 : i32
      scf.yield %scan3A_121 : i32
    }
    %scan3A_42 = arith.constant 9 : i32
    %add3A_43 = arith.constant 0 : i32
    %add3A_44 = arith.addi %mul3A_2, %add3A_43 : i32
    %dma_wait3A_45 = arith.constant 0 : i32
    %dma_wait3A_46 = tpu.memref_slice %arg4[%add3A_44, %dma_wait3A_45] : memref<81920x128xi32, #tpu.memory_space<hbm>> -> memref<128x128xi32, #tpu.memory_space<hbm>>
    %dma_wait3A_47 = arith.constant 0 : i32
    %dma_wait3A_48 = tpu.memref_slice %arg4[%add3A_44, %dma_wait3A_47] : memref<81920x128xi32, #tpu.memory_space<hbm>> -> memref<128x128xi32, #tpu.memory_space<hbm>>
    tpu.wait_dma2 semaphore(%arg11 : memref<!tpu.dma_semaphore, #tpu.memory_space<semaphore_mem>>) src(%arg7 : memref<128x128xi32, #tpu.memory_space<vmem>>) dst(%dma_wait3A_48 : memref<128x128xi32, #tpu.memory_space<hbm>>)
    %add3A_49 = arith.constant 0 : i32
    %add3A_50 = arith.addi %mul3A_2, %add3A_49 : i32
    %dma_wait3A_51 = arith.constant 0 : i32
    %dma_wait3A_52 = tpu.memref_slice %arg4[%add3A_50, %dma_wait3A_51] : memref<81920x128xi32, #tpu.memory_space<hbm>> -> memref<128x128xi32, #tpu.memory_space<hbm>>
    %dma_wait3A_53 = arith.constant 0 : i32
    %dma_wait3A_54 = tpu.memref_slice %arg4[%add3A_50, %dma_wait3A_53] : memref<81920x128xi32, #tpu.memory_space<hbm>> -> memref<128x128xi32, #tpu.memory_space<hbm>>
    tpu.wait_dma2 semaphore(%arg12 : memref<!tpu.dma_semaphore, #tpu.memory_space<semaphore_mem>>) src(%arg8 : memref<128x128xi32, #tpu.memory_space<vmem>>) dst(%dma_wait3A_54 : memref<128x128xi32, #tpu.memory_space<hbm>>)
    return
  }
}

module attributes {stable_mosaic.version = 14 : i64} {
  func.func @_proj_body(%arg0: i32, %arg1: memref<256x128xf32, #tpu.memory_space<vmem>>, %arg2: memref<128x384xf32, #tpu.memory_space<vmem>>, %arg3: memref<256x128xf32, #tpu.memory_space<vmem>>, %arg4: memref<256x128xi32, #tpu.memory_space<vmem>>) attributes {dimension_semantics = [#tpu.dimension_semantics<arbitrary>], iteration_bounds = array<i64: 40>, scalar_prefetch = 0 : i64, scratch_operands = 0 : i64, tpu.core_type = #tpu.core_type<tc>, window_params = [{transform_indices = @transform_0, window_bounds = array<i64: 256, 128>}, {pipeline_mode = #tpu.pipeline_mode<synchronous>, transform_indices = @transform_1, window_bounds = array<i64: 128, 384>}, {transform_indices = @transform_2, window_bounds = array<i64: 256, 128>}, {transform_indices = @transform_3, window_bounds = array<i64: 256, 128>}]} {
    %get3A = arith.constant 0 : index
    %get3A_0 = arith.constant 0 : index
    %get3A_1 = vector.load %arg1[%get3A, %get3A_0] : memref<256x128xf32, #tpu.memory_space<vmem>>, vector<256x128xf32>
    %get3A_2 = arith.constant 0 : index
    %get3A_3 = arith.constant 0 : index
    %get3A_4 = vector.load %arg2[%get3A_2, %get3A_3] : memref<128x384xf32, #tpu.memory_space<vmem>>, vector<128x384xf32>
    %dot_general3A = arith.constant dense<0.000000e+00> : vector<256x384xf32>
    %dot_general3A_5 = tpu.matmul %get3A_1, %get3A_4, %dot_general3A {dimension_numbers = #tpu.dot_dimension_numbers<[1], [0], [0], [1], [0, 0, 1, 1], [], []>, transpose_lhs_hint = false} : vector<256x128xf32>, vector<128x384xf32>, vector<256x384xf32> -> vector<256x384xf32>
    %slice3A = vector.extract_strided_slice %dot_general3A_5 {offsets = [0, 0], sizes = [256, 128], strides = [1, 1]} : vector<256x384xf32> to vector<256x128xf32>
    %swap3A = arith.constant 0 : index
    %swap3A_6 = arith.constant 0 : index
    %swap3A_7 = vector.load %arg3[%swap3A, %swap3A_6] : memref<256x128xf32, #tpu.memory_space<vmem>>, vector<256x128xf32>
    tpu.vector_store %arg3[%swap3A, %swap3A_6], %slice3A {strides = array<i32>} : memref<256x128xf32, #tpu.memory_space<vmem>>, vector<256x128xf32>,
    %slice3A_8 = vector.extract_strided_slice %dot_general3A_5 {offsets = [0, 128], sizes = [256, 128], strides = [1, 1]} : vector<256x384xf32> to vector<256x128xf32>
    %convert_element_type3A = arith.truncf %slice3A_8 : vector<256x128xf32> to vector<256x128xbf16>
    %slice3A_9 = vector.extract_strided_slice %dot_general3A_5 {offsets = [0, 256], sizes = [256, 128], strides = [1, 1]} : vector<256x384xf32> to vector<256x128xf32>
    %convert_element_type3A_10 = arith.truncf %slice3A_9 : vector<256x128xf32> to vector<256x128xbf16>
    %bitcast_convert_type3A = tpu.bitcast %convert_element_type3A : vector<256x128xbf16> -> vector<256x128xi16>
    %convert_element_type3A_11 = arith.extui %bitcast_convert_type3A : vector<256x128xi16> to vector<256x128xi32>
    %bitcast_convert_type3A_12 = tpu.bitcast %convert_element_type3A_10 : vector<256x128xbf16> -> vector<256x128xi16>
    %convert_element_type3A_13 = arith.extui %bitcast_convert_type3A_12 : vector<256x128xi16> to vector<256x128xi32>
    %shift_left3A = arith.constant 16 : i32
    %shift_left3A_14 = vector.broadcast %shift_left3A : i32 to vector<256x128xi32>
    %shift_left3A_15 = arith.shli %convert_element_type3A_13, %shift_left3A_14 : vector<256x128xi32>
    %or3A = arith.ori %convert_element_type3A_11, %shift_left3A_15 : vector<256x128xi32>
    %bitcast_convert_type3A_16 = tpu.bitcast %or3A : vector<256x128xi32> -> vector<256x128xi32>
    %swap3A_17 = arith.constant 0 : index
    %swap3A_18 = arith.constant 0 : index
    %swap3A_19 = vector.load %arg4[%swap3A_17, %swap3A_18] : memref<256x128xi32, #tpu.memory_space<vmem>>, vector<256x128xi32>
    tpu.vector_store %arg4[%swap3A_17, %swap3A_18], %bitcast_convert_type3A_16 {strides = array<i32>} : memref<256x128xi32, #tpu.memory_space<vmem>>, vector<256x128xi32>,
    return
  }
  func.func @transform_0(%arg0: i32) -> (i32, i32) {
    %c0_i32 = arith.constant 0 : i32
    %c0_i32_0 = arith.constant 0 : i32
    return %arg0, %c0_i32 : i32, i32
  }
  func.func @transform_1(%arg0: i32) -> (i32, i32) {
    %c0_i32 = arith.constant 0 : i32
    %c0_i32_0 = arith.constant 0 : i32
    %c0_i32_1 = arith.constant 0 : i32
    return %c0_i32, %c0_i32_0 : i32, i32
  }
  func.func @transform_2(%arg0: i32) -> (i32, i32) {
    %c0_i32 = arith.constant 0 : i32
    %c0_i32_0 = arith.constant 0 : i32
    return %arg0, %c0_i32 : i32, i32
  }
  func.func @transform_3(%arg0: i32) -> (i32, i32) {
    %c0_i32 = arith.constant 0 : i32
    %c0_i32_0 = arith.constant 0 : i32
    return %arg0, %c0_i32 : i32, i32
  }
}

module attributes {stable_mosaic.version = 14 : i64} {
  func.func @_dense_body(%arg0: i32, %arg1: memref<64x128xf32, #tpu.memory_space<vmem>>, %arg2: memref<64x128xf32, #tpu.memory_space<vmem>>, %arg3: memref<2048x128xi32, #tpu.memory_space<vmem>>, %arg4: memref<64x32xi32, #tpu.memory_space<vmem>>, %arg5: memref<8x128xf32, #tpu.memory_space<vmem>>, %arg6: memref<16x8xf32, #tpu.memory_space<vmem>>, %arg7: memref<1x1xf32, #tpu.memory_space<smem>>, %arg8: memref<64x128xf32, #tpu.memory_space<vmem>>) attributes {dimension_semantics = [#tpu.dimension_semantics<arbitrary>], iteration_bounds = array<i64: 40>, scalar_prefetch = 0 : i64, scratch_operands = 0 : i64, tpu.core_type = #tpu.core_type<tc>, window_params = [{transform_indices = @transform_0, window_bounds = array<i64: 64, 128>}, {transform_indices = @transform_1, window_bounds = array<i64: 64, 128>}, {transform_indices = @transform_2, window_bounds = array<i64: 2048, 128>}, {transform_indices = @transform_3, window_bounds = array<i64: 64, 32>}, {pipeline_mode = #tpu.pipeline_mode<synchronous>, transform_indices = @transform_4, window_bounds = array<i64: 8, 128>}, {pipeline_mode = #tpu.pipeline_mode<synchronous>, transform_indices = @transform_5, window_bounds = array<i64: 16, 8>}, {transform_indices = @transform_6, window_bounds = array<i64: 1, 1>}, {transform_indices = @transform_7, window_bounds = array<i64: 64, 128>}]} {
    %get3A = arith.constant 0 : index
    %get3A_0 = arith.constant 0 : index
    %get3A_1 = vector.load %arg3[%get3A, %get3A_0] : memref<2048x128xi32, #tpu.memory_space<vmem>>, vector<2048x128xi32>
    %bitcast_convert_type3A = tpu.bitcast %get3A_1 : vector<2048x128xi32> -> vector<2048x128xi32>
    %and3A = arith.constant 65535 : i32
    %and3A_2 = vector.broadcast %and3A : i32 to vector<2048x128xi32>
    %and3A_3 = arith.andi %bitcast_convert_type3A, %and3A_2 : vector<2048x128xi32>
    %convert_element_type3A = arith.trunci %and3A_3 : vector<2048x128xi32> to vector<2048x128xi16>
    %bitcast_convert_type3A_4 = tpu.bitcast %convert_element_type3A : vector<2048x128xi16> -> vector<2048x128xbf16>
    %convert_element_type3A_5 = arith.extf %bitcast_convert_type3A_4 : vector<2048x128xbf16> to vector<2048x128xf32>
    %shift_right_logical3A = arith.constant 16 : i32
    %shift_right_logical3A_6 = vector.broadcast %shift_right_logical3A : i32 to vector<2048x128xi32>
    %shift_right_logical3A_7 = arith.shrui %bitcast_convert_type3A, %shift_right_logical3A_6 : vector<2048x128xi32>
    %convert_element_type3A_8 = arith.trunci %shift_right_logical3A_7 : vector<2048x128xi32> to vector<2048x128xi16>
    %bitcast_convert_type3A_9 = tpu.bitcast %convert_element_type3A_8 : vector<2048x128xi16> -> vector<2048x128xbf16>
    %convert_element_type3A_10 = arith.extf %bitcast_convert_type3A_9 : vector<2048x128xbf16> to vector<2048x128xf32>
    %reshape3A = vector.shape_cast %convert_element_type3A_5 : vector<2048x128xf32> to vector<64x32x128xf32>
    %get3A_11 = arith.constant 0 : index
    %get3A_12 = arith.constant 0 : index
    %get3A_13 = vector.load %arg2[%get3A_11, %get3A_12] : memref<64x128xf32, #tpu.memory_space<vmem>>, vector<64x128xf32>
    %broadcast_in_dim3A = vector.shape_cast %get3A_13 : vector<64x128xf32> to vector<64x1x128xf32>
    %add3A = vector.broadcast %broadcast_in_dim3A : vector<64x1x128xf32> to vector<64x32x128xf32>
    %add3A_14 = arith.addf %add3A, %reshape3A : vector<64x32x128xf32>
    %mul3A = arith.constant 2.000000e-01 : f32
    %mul3A_15 = vector.broadcast %mul3A : f32 to vector<64x32x128xf32>
    %mul3A_16 = arith.mulf %mul3A_15, %add3A_14 : vector<64x32x128xf32>
    %max3A = arith.maximumf %add3A_14, %mul3A_16 : vector<64x32x128xf32>
    %reshape3A_17 = vector.shape_cast %max3A : vector<64x32x128xf32> to vector<2048x128xf32>
    %get3A_18 = arith.constant 0 : index
    %get3A_19 = arith.constant 0 : index
    %get3A_20 = vector.load %arg5[%get3A_18, %get3A_19] : memref<8x128xf32, #tpu.memory_space<vmem>>, vector<8x128xf32>
    %dot_general3A = arith.constant dense<0.000000e+00> : vector<2048x8xf32>
    %dot_general3A_21 = tpu.matmul %reshape3A_17, %get3A_20, %dot_general3A {dimension_numbers = #tpu.dot_dimension_numbers<[1], [1], [0], [0], [0, 0, 1, 0], [], []>, transpose_lhs_hint = false} : vector<2048x128xf32>, vector<8x128xf32>, vector<2048x8xf32> -> vector<2048x8xf32>
    %get3A_22 = arith.constant 0 : index
    %get3A_23 = arith.constant 0 : index
    %get3A_24 = vector.load %arg4[%get3A_22, %get3A_23] : memref<64x32xi32, #tpu.memory_space<vmem>>, vector<64x32xi32>
    %iota3A = tpu.iota {dimensions = array<i32: 2>} : vector<64x32x16xi32>
    %broadcast_in_dim3A_25 = vector.shape_cast %get3A_24 : vector<64x32xi32> to vector<64x32x1xi32>
    %eq3A = vector.broadcast %broadcast_in_dim3A_25 : vector<64x32x1xi32> to vector<64x32x16xi32>
    %eq3A_26 = arith.cmpi eq, %iota3A, %eq3A : vector<64x32x16xi32>
    %convert_element_type3A_27 = arith.extui %eq3A_26 : vector<64x32x16xi1> to vector<64x32x16xi32>
    %convert_element_type3A_28 = arith.sitofp %convert_element_type3A_27 : vector<64x32x16xi32> to vector<64x32x16xf32>
    %reshape3A_29 = vector.shape_cast %convert_element_type3A_28 : vector<64x32x16xf32> to vector<2048x16xf32>
    %get3A_30 = arith.constant 0 : index
    %get3A_31 = arith.constant 0 : index
    %get3A_32 = vector.load %arg6[%get3A_30, %get3A_31] : memref<16x8xf32, #tpu.memory_space<vmem>>, vector<16x8xf32>
    %dot_general3A_33 = arith.constant dense<0.000000e+00> : vector<2048x8xf32>
    %dot_general3A_34 = tpu.matmul %reshape3A_29, %get3A_32, %dot_general3A_33 {dimension_numbers = #tpu.dot_dimension_numbers<[1], [0], [0], [1], [0, 0, 1, 1], [], []>, transpose_lhs_hint = false} : vector<2048x16xf32>, vector<16x8xf32>, vector<2048x8xf32> -> vector<2048x8xf32>
    %add3A_35 = arith.addf %dot_general3A_21, %dot_general3A_34 : vector<2048x8xf32>
    %reshape3A_36 = vector.shape_cast %add3A_35 : vector<2048x8xf32> to vector<64x32x8xf32>
    %reduce_max3A = arith.constant dense<0xFF800000> : vector<64x8xf32>
    %reduce_max3A_37 = vector.multi_reduction <maximumf>, %reshape3A_36, %reduce_max3A [1] : vector<64x32x8xf32> to vector<64x8xf32>
    %broadcast_in_dim3A_38 = vector.shape_cast %reduce_max3A_37 : vector<64x8xf32> to vector<64x1x8xf32>
    %sub3A = vector.broadcast %broadcast_in_dim3A_38 : vector<64x1x8xf32> to vector<64x32x8xf32>
    %sub3A_39 = arith.subf %reshape3A_36, %sub3A : vector<64x32x8xf32>
    %exp3A = math.exp %sub3A_39 : vector<64x32x8xf32>
    %reduce_sum3A = arith.constant dense<0.000000e+00> : vector<64x8xf32>
    %reduce_sum3A_40 = vector.multi_reduction <add>, %exp3A, %reduce_sum3A [1] : vector<64x32x8xf32> to vector<64x8xf32>
    %broadcast_in_dim3A_41 = vector.shape_cast %reduce_sum3A_40 : vector<64x8xf32> to vector<64x1x8xf32>
    %iota3A_42 = tpu.iota {dimensions = array<i32: 1>} : vector<8x128xi32>
    %jit3A = arith.constant 16 : i32
    %div3A = vector.broadcast %jit3A : i32 to vector<8x128xi32>
    %div3A_43 = arith.divsi %iota3A_42, %div3A : vector<8x128xi32>
    %sign3A = arith.constant 0 : i32
    %sign3A_44 = vector.broadcast %sign3A : i32 to vector<8x128xi32>
    %sign3A_45 = arith.cmpi sgt, %iota3A_42, %sign3A_44 : vector<8x128xi32>
    %sign3A_46 = arith.extui %sign3A_45 : vector<8x128xi1> to vector<8x128xi32>
    %sign3A_47 = arith.constant 0 : i32
    %sign3A_48 = vector.broadcast %sign3A_47 : i32 to vector<8x128xi32>
    %sign3A_49 = arith.cmpi slt, %iota3A_42, %sign3A_48 : vector<8x128xi32>
    %sign3A_50 = arith.extui %sign3A_49 : vector<8x128xi1> to vector<8x128xi32>
    %sign3A_51 = arith.subi %sign3A_46, %sign3A_50 : vector<8x128xi32>
    %sign3A_52 = arith.constant 0 : i32
    %sign3A_53 = arith.cmpi sgt, %jit3A, %sign3A_52 : i32
    %sign3A_54 = arith.extui %sign3A_53 : i1 to i32
    %sign3A_55 = arith.constant 0 : i32
    %sign3A_56 = arith.cmpi slt, %jit3A, %sign3A_55 : i32
    %sign3A_57 = arith.extui %sign3A_56 : i1 to i32
    %sign3A_58 = arith.subi %sign3A_54, %sign3A_57 : i32
    %ne3A = vector.broadcast %sign3A_58 : i32 to vector<8x128xi32>
    %ne3A_59 = arith.cmpi ne, %sign3A_51, %ne3A : vector<8x128xi32>
    %rem3A = vector.broadcast %jit3A : i32 to vector<8x128xi32>
    %rem3A_60 = arith.remsi %iota3A_42, %rem3A : vector<8x128xi32>
    %ne3A_61 = arith.constant 0 : i32
    %ne3A_62 = vector.broadcast %ne3A_61 : i32 to vector<8x128xi32>
    %ne3A_63 = arith.cmpi ne, %rem3A_60, %ne3A_62 : vector<8x128xi32>
    %and3A_64 = arith.andi %ne3A_59, %ne3A_63 : vector<8x128xi1>
    %sub3A_65 = arith.constant 1 : i32
    %sub3A_66 = vector.broadcast %sub3A_65 : i32 to vector<8x128xi32>
    %sub3A_67 = arith.subi %div3A_43, %sub3A_66 : vector<8x128xi32>
    %select_n3A = arith.select %and3A_64, %sub3A_67, %div3A_43 : vector<8x128xi1>, vector<8x128xi32>
    %iota3A_68 = tpu.iota {dimensions = array<i32: 0>} : vector<8x128xi32>
    %eq3A_69 = arith.cmpi eq, %select_n3A, %iota3A_68 : vector<8x128xi32>
    %convert_element_type3A_70 = arith.extui %eq3A_69 : vector<8x128xi1> to vector<8x128xi32>
    %convert_element_type3A_71 = arith.sitofp %convert_element_type3A_70 : vector<8x128xi32> to vector<8x128xf32>
    %reshape3A_72 = vector.shape_cast %exp3A : vector<64x32x8xf32> to vector<2048x8xf32>
    %dot_general3A_73 = arith.constant dense<0.000000e+00> : vector<2048x128xf32>
    %dot_general3A_74 = tpu.matmul %reshape3A_72, %convert_element_type3A_71, %dot_general3A_73 {dimension_numbers = #tpu.dot_dimension_numbers<[1], [0], [0], [1], [0, 0, 1, 1], [], []>, transpose_lhs_hint = false} : vector<2048x8xf32>, vector<8x128xf32>, vector<2048x128xf32> -> vector<2048x128xf32>
    %mul3A_75 = arith.mulf %dot_general3A_74, %convert_element_type3A_10 : vector<2048x128xf32>
    %reshape3A_76 = vector.shape_cast %mul3A_75 : vector<2048x128xf32> to vector<64x32x128xf32>
    %reduce_sum3A_77 = arith.constant dense<0.000000e+00> : vector<64x128xf32>
    %reduce_sum3A_78 = vector.multi_reduction <add>, %reshape3A_76, %reduce_sum3A_77 [1] : vector<64x32x128xf32> to vector<64x128xf32>
    %div3A_79 = arith.constant 1.000000e+00 : f32
    %div3A_80 = vector.broadcast %div3A_79 : f32 to vector<64x1x8xf32>
    %div3A_81 = arith.divf %div3A_80, %broadcast_in_dim3A_41 : vector<64x1x8xf32>
    %reshape3A_82 = vector.shape_cast %div3A_81 : vector<64x1x8xf32> to vector<64x8xf32>
    %dot_general3A_83 = arith.constant dense<0.000000e+00> : vector<64x128xf32>
    %dot_general3A_84 = tpu.matmul %reshape3A_82, %convert_element_type3A_71, %dot_general3A_83 {dimension_numbers = #tpu.dot_dimension_numbers<[1], [0], [0], [1], [0, 0, 1, 1], [], []>, transpose_lhs_hint = false} : vector<64x8xf32>, vector<8x128xf32>, vector<64x128xf32> -> vector<64x128xf32>
    %mul3A_85 = arith.mulf %reduce_sum3A_78, %dot_general3A_84 : vector<64x128xf32>
    %get3A_86 = arith.constant 0 : index
    %get3A_87 = arith.constant 0 : index
    %get3A_88 = memref.load %arg7[%get3A_86, %get3A_87] : memref<1x1xf32, #tpu.memory_space<smem>>
    %get3A_89 = arith.constant 0 : index
    %get3A_90 = arith.constant 0 : index
    %get3A_91 = vector.load %arg1[%get3A_89, %get3A_90] : memref<64x128xf32, #tpu.memory_space<vmem>>, vector<64x128xf32>
    %mul3A_92 = vector.broadcast %get3A_88 : f32 to vector<64x128xf32>
    %mul3A_93 = arith.mulf %mul3A_92, %get3A_91 : vector<64x128xf32>
    %add3A_94 = arith.addf %mul3A_85, %mul3A_93 : vector<64x128xf32>
    %mul3A_95 = arith.constant 2.000000e-01 : f32
    %mul3A_96 = vector.broadcast %mul3A_95 : f32 to vector<64x128xf32>
    %mul3A_97 = arith.mulf %mul3A_96, %add3A_94 : vector<64x128xf32>
    %max3A_98 = arith.maximumf %add3A_94, %mul3A_97 : vector<64x128xf32>
    %swap3A = arith.constant 0 : index
    %swap3A_99 = arith.constant 0 : index
    %swap3A_100 = vector.load %arg8[%swap3A, %swap3A_99] : memref<64x128xf32, #tpu.memory_space<vmem>>, vector<64x128xf32>
    tpu.vector_store %arg8[%swap3A, %swap3A_99], %max3A_98 {strides = array<i32>} : memref<64x128xf32, #tpu.memory_space<vmem>>, vector<64x128xf32>,
    return
  }
  func.func @transform_0(%arg0: i32) -> (i32, i32) {
    %c0_i32 = arith.constant 0 : i32
    %c0_i32_0 = arith.constant 0 : i32
    return %arg0, %c0_i32 : i32, i32
  }
  func.func @transform_1(%arg0: i32) -> (i32, i32) {
    %c0_i32 = arith.constant 0 : i32
    %c0_i32_0 = arith.constant 0 : i32
    return %arg0, %c0_i32 : i32, i32
  }
  func.func @transform_2(%arg0: i32) -> (i32, i32) {
    %c0_i32 = arith.constant 0 : i32
    %c0_i32_0 = arith.constant 0 : i32
    return %arg0, %c0_i32 : i32, i32
  }
  func.func @transform_3(%arg0: i32) -> (i32, i32) {
    %c0_i32 = arith.constant 0 : i32
    %c0_i32_0 = arith.constant 0 : i32
    return %arg0, %c0_i32 : i32, i32
  }
  func.func @transform_4(%arg0: i32) -> (i32, i32) {
    %c0_i32 = arith.constant 0 : i32
    %c0_i32_0 = arith.constant 0 : i32
    %c0_i32_1 = arith.constant 0 : i32
    return %c0_i32, %c0_i32_0 : i32, i32
  }
  func.func @transform_5(%arg0: i32) -> (i32, i32) {
    %c0_i32 = arith.constant 0 : i32
    %c0_i32_0 = arith.constant 0 : i32
    %c0_i32_1 = arith.constant 0 : i32
    return %c0_i32, %c0_i32_0 : i32, i32
  }
  func.func @transform_6(%arg0: i32) -> (i32, i32) {
    %c0_i32 = arith.constant 0 : i32
    %c0_i32_0 = arith.constant 0 : i32
    %c0_i32_1 = arith.constant 0 : i32
    return %c0_i32, %c0_i32_0 : i32, i32
  }
  func.func @transform_7(%arg0: i32) -> (i32, i32) {
    %c0_i32 = arith.constant 0 : i32
    %c0_i32_0 = arith.constant 0 : i32
    return %arg0, %c0_i32 : i32, i32
  }
}

</mosaic_0001>

<sc_bundles>
// kernel: kernel.11.cloned.1.call-start
scs
__scs_entry_jumppad:
0x0: {  	(pc) =	sbr.rel $0x88, $3  }
0x1: {  	(tag) =	ssettag $0x0;
	lr =	simm.s32 $0x1  }
0x2: {  	[smem:$0x3F99] =	sst lr;
	_ =	strace $0xD0000000  }
0x3: {  	_ = 	snop  }
0x4: {  	_ = 	snop  }
0x5: {  	_ = 	snop  }
0x6: {  	_ = 	snop  }
0x7: {  	_ = 	snop  }
__scs_overlays_trampoline_lowered:
0x8: {  	[smem:$0x3FA8] =	sst s0  }
0x9: {  	[smem:$0x3FA9] =	sst s1  }
0xa: {  	[smem:$0x3FAA] =	sst s2  }
0xb: {  	[smem:$0x3FAB] =	sst s3  }
0xc: {  	[smem:$0x3FAC] =	sst s4  }
0xd: {  	[smem:$0x3FAD] =	sst s5  }
0xe: {  	[smem:$0x3FAE] =	sst s6  }
0xf: {  	[smem:$0x3FAF] =	sst s7  }
0x10: {  	[smem:$0x3FB0] =	sst s8  }
0x11: {  	[smem:$0x3FB1] =	sst s9;
	s0 =	simm.s32 @!p0 $0x0  }
0x12: {  	s1 =	sld [smem:$0x3F97];
	s0 =	simm.s32 @p0 $0x1  }
0x13: {  	[smem:$0x3FB2] =	sst s0;
	s0 =	simm.s32 @!p1 $0x0  }
0x14: {  	s2 =	sld [smem:$0x3F96];
	s0 =	simm.s32 @p1 $0x1  }
0x15: {  	[smem:$0x3FB3] =	sst s0;
	s0 =	simm.s32 @!p2 $0x0  }
0x16: {  	s3 =	sld [smem:$0x3FDB];
	s0 =	simm.s32 @p2 $0x1  }
0x17: {  	s4 =	simm.s32 $0x1BF5;
	[smem:$0x3FB5] =	sst s0  }
0x18: {  	s0 =	sld [smem:$0x3F98];
	_ =	swait.ge [sflag:s4], $0x0  }
0x19: {  	s7 =	sld [smem:$0x3F99]  }
0x1a: {  	s8 =	sadd.s32 $0xFFFFE003, lr  }
0x1b: {  	s9 =	sadd.s32 $0xFFFFFEF7, lr;
	s5 =	simm.s32 $0xFFFFFFFF;
	p2 =	slt.u32 s8, $0xFFFFF086  }
0x1c: {  	p1 =	slt.u32 s9, $0xF7A;
	s5 =	simm.s32 @!p2 $0x0  }
0x1d: {  	s5 =	simm.s32 @p1 $0x1;
	p0 =	seq.s32 s7, s2  }
0x1e: {  	s7 =	smul.u32 @!p0 $0xF7A, s2;
	p2 =	seq.s32 @!p0 s5, $0x0  }
0x1f: {  	s9 =	smul.u32 $0xF7A, s1;
	s8 =	simm.s32 @!p0 $0x1BF5;
	p2 =	por !p2, p0  }
0x20: {  	[sflag:s8] =	ssyncset.s32 @!p0 $0xFFFFF086;
	s6 =	sadd.s32 @!p0 s3, s7;
	s7 =	simm.s32 @!p0 $0x108  }
0x21: {  	s3 =	sadd.s32 s3, s9;
	s6 =	sadd.s32 @!p0 $0x88, s6;
	s7 =	simm.s32 @p2 $0x1082  }
0x22: {  	[simem:s7], [sflag:s8] =	dma.local @!p0 [hbm:s6], $0xF7A  }
0x23: {  	s9 =	sor.u32 $0xD0000000, s2;
	s6 =	simm.s32 $0x108;
	_ =	swait.ge @!p0 [sflag:s8], $0x0  }
0x24: {  	s3 =	sadd.s32 $0x88, s3;
	s6 =	simm.s32 @!p1 $0x1082;
	[sflag:s4] =	ssyncset.s32 $0xFFFFF086  }
0x25: {  	[simem:s6], [sflag:s4] =	dma.local [hbm:s3], $0xF7A  }
0x26: {  	[smem:$0x3F99] =	sst s1;
	(tag) =	ssettag s2;
	_ =	strace s9  }
0x27: {  	s1 =	sld [smem:$0x3FA9]  }
0x28: {  	s2 =	sld [smem:$0x3FAA]  }
0x29: {  	s4 =	sld [smem:$0x3FAC]  }
0x2a: {  	p0 =	seq.s32 s5, $0x0;
	s5 =	sld [smem:$0x3FAD]  }
0x2b: {  	s6 =	sld [smem:$0x3FAE]  }
0x2c: {  	s7 =	sld [smem:$0x3FAF]  }
0x2d: {  	s3 =	simm.s32 $0x108;
	s8 =	sld [smem:$0x3FB0]  }
0x2e: {  	s3 =	simm.s32 @!p0 $0x1082;
	s9 =	sld [smem:$0x3FB1]  }
0x2f: {  	lr =	sadd.s32 s0, s3;
	s0 =	sld [smem:$0x3FA8]  }
0x30: {  	s3 =	sld [smem:$0x3FAB]  }
0x31: {  	[smem:$0x3FB4] =	sst s10  }
0x32: {  	s10 =	sld [smem:$0x3FB2];
	_ =	sdelay $0x3  }
0x33: {  	p0 =	seq.s32 s10, $0x1;
	s10 =	sld [smem:$0x3FB4];
	_ =	sdelay $0x3  }
0x34: {  	[smem:$0x3FB4] =	sst s10  }
0x35: {  	s10 =	sld [smem:$0x3FB3];
	_ =	sdelay $0x3  }
0x36: {  	p1 =	seq.s32 s10, $0x1;
	s10 =	sld [smem:$0x3FB4];
	_ =	sdelay $0x3  }
0x37: {  	[smem:$0x3FB4] =	sst s10  }
0x38: {  	s10 =	sld [smem:$0x3FB5]  }
0x39: {  	_ = 	snop;
	(pc) =	sbr.ind lr, $3  }
0x3a: {  	_ = 	snop  }
0x3b: {  	_ = 	snop  }
0x3c: {  	p2 =	seq.s32 s10, $0x1;
	s10 =	sld [smem:$0x3FB4]  }
0x3d: {  	_ =	shalt  }
0x3e: {  	_ =	shalt  }
0x3f: {  	_ =	shalt  }
0x40: {  	_ =	shalt  }
0x41: {  	_ =	shalt  }
0x42: {  	_ =	shalt  }
0x43: {  	_ =	shalt  }
0x44: {  	_ =	shalt  }
0x45: {  	_ =	shalt  }
0x46: {  	_ =	shalt  }
0x47: {  	_ =	shalt  }
0x48: {  	_ =	shalt  }
0x49: {  	_ =	shalt  }
0x4a: {  	_ =	shalt  }
0x4b: {  	_ =	shalt  }
0x4c: {  	_ =	shalt  }
0x4d: {  	_ =	shalt  }
0x4e: {  	_ =	shalt  }
0x4f: {  	_ =	shalt  }
0x50: {  	_ =	shalt  }
0x51: {  	_ =	shalt  }
0x52: {  	_ =	shalt  }
0x53: {  	_ =	shalt  }
0x54: {  	_ =	shalt  }
0x55: {  	_ =	shalt  }
0x56: {  	_ =	shalt  }
0x57: {  	_ =	shalt  }
0x58: {  	_ =	shalt  }
0x59: {  	_ =	shalt  }
0x5a: {  	_ =	shalt  }
0x5b: {  	_ =	shalt  }
0x5c: {  	_ =	shalt  }
0x5d: {  	_ =	shalt  }
0x5e: {  	_ =	shalt  }
0x5f: {  	_ =	shalt  }
0x60: {  	_ =	shalt  }
0x61: {  	_ =	shalt  }
0x62: {  	_ =	shalt  }
0x63: {  	_ =	shalt  }
0x64: {  	_ =	shalt  }
0x65: {  	_ =	shalt  }
0x66: {  	_ =	shalt  }
0x67: {  	_ =	shalt  }
0x68: {  	_ =	shalt  }
0x69: {  	_ =	shalt  }
0x6a: {  	_ =	shalt  }
0x6b: {  	_ =	shalt  }
0x6c: {  	_ =	shalt  }
0x6d: {  	_ =	shalt  }
0x6e: {  	_ =	shalt  }
0x6f: {  	_ =	shalt  }
0x70: {  	_ =	shalt  }
0x71: {  	_ =	shalt  }
0x72: {  	_ =	shalt  }
0x73: {  	_ =	shalt  }
0x74: {  	_ =	shalt  }
0x75: {  	_ =	shalt  }
0x76: {  	_ =	shalt  }
0x77: {  	_ =	shalt  }
0x78: {  	_ =	shalt  }
0x79: {  	_ =	shalt  }
0x7a: {  	_ =	shalt  }
0x7b: {  	_ =	shalt  }
0x7c: {  	_ =	shalt  }
0x7d: {  	_ =	shalt  }
0x7e: {  	_ =	shalt  }
0x7f: {  	_ =	shalt  }
0x80: {  	_ =	shalt  }
0x81: {  	_ =	shalt  }
0x82: {  	_ =	shalt  }
0x83: {  	_ =	shalt  }
0x84: {  	_ =	shalt  }
0x85: {  	_ =	shalt  }
0x86: {  	_ =	shalt  }
0x87: {  	_ =	shalt  }
.Lfunc_end0:
.L_simem_size_0:
called_computation_lowered:
.L_overlay_start_0:
0x88: {  	s2 =	sld [smem:$0x3FD9]  }
0x89: {  	s3 =	sld [smem:$0x3FFE];
	_ =	sdelay $0x1  }
0x8a: {  	s1 =	srdreg.scid  }
0x8b: {  	s0 =	sand.u32 $0x1, s1  }
0x8c: {  	s17 =	sshll.u32 s0, $0xA;
	s2 =	sadd.s32 s3, s2  }
0x8d: {  	s2 =	sadd.s32 s2, s17  }
0x8e: {  	[smem:$0x3FC0] =	sst s2  }
0x8f: {  	_ = 	snop  }
0x90: {  	(tm) =	ssettm $0x1  }
0x91: {  	s18 =	sld [smem:$0x3FFB];
	_ =	sdelay $0x3  }
0x92: {  	_ =	strace s18  }
0x93: {  	s2 =	sld [smem:$0x3FFC];
	_ =	sdelay $0x3  }
0x94: {  	_ =	strace s2  }
0x95: {  	s2 =	sld [smem:$0x3FFD];
	_ =	sdelay $0x3  }
0x96: {  	_ =	strace s2  }
0x97: {  	_ =	strace $0x8FFFFFFF  }
0x98: {  	s19 =	sld [smem:$0x3FDB];
	_ =	sdelay $0x1  }
0x99: {  	s20 =	simm.s32 $_scs_section_size  }
0x9a: {  	s4 =	simm.s32 $_size__tile_overlayer_lowered;
	s5 =	simm.s32 $_tile_overlayer_lowered  }
0x9b: {  	s6 =	simm.s32 $0x1BFF;
	s21 =	sshll.u32 s5, $0x1;
	s3 =	sadd.s32 s20, s19  }
0x9c: {  	s22 =	simm.s32 $0x0;
	s4 =	sshll.u32 s4, $0x1;
	s5 =	sadd.s32 s21, s3  }
0x9d: {  	[timem:s22], [sflag:s6] =	dma.local [hbm:s5], s4  }
0x9e: {  	_ =	swait.ge [sflag:s6], s4  }
0x9f: {  	s4 =	ssub.s32 $0x0, s4;
	[sflag:s6] =	ssyncset.done $0x0  }
0xa0: {  	[sflag:s6] =	ssyncadd.s32 s4;
	_ =	sdelay $0x1  }
0xa1: {  	s23 =	simm.s32 $0x1B8B  }
0xa2: {  	_ =	swait.ge [sflag:s23], $0x1  }
0xa3: {  	[sflag:s23] =	ssyncset.done $0x0  }
0xa4: {  	[sflag:s23] =	ssyncadd.s32 $0xFFFFFFFF  }
0xa5: {  	s4 =	sld [smem:$0x0]  }
0xa6: {  	s5 =	sand.u32 $0xFFFFFFFE, s1  }
0xa7: {  	p0 =	sne.s32 s1, s5  }
0xa8: {  	s5 =	sshll.u32 @p0 s5, $0xE  }
0xa9: {  	s5 =	sadd.s32 @p0 $0x11B8D, s5;
	s6 =	sshll.u32 @p0 s4, $0x11  }
0xaa: {  	s5 =	sor.u32 @p0 s6, s5  }
0xab: {  	[sflag:s5] =	ssyncadd.remote.s32 @p0 $0x1;
	_ =	sdelay $0x1  }
0xac: {  	s5 =	simm.s32 @p0 $0x1B8D  }
0xad: {  	_ =	swait.eq @p0 [sflag:s5], $0x1  }
0xae: {  	[sflag:s5] =	ssyncadd.s32 @p0 $0xFFFFFFFF  }
0xaf: {  	s6 =	sshll.u32 @!p0 s1, $0xE  }
0xb0: {  	s6 =	sor.u32 @!p0 $0x4000, s6;
	s5 =	simm.s32 @!p0 $0x1B8D  }
0xb1: {  	s4 =	sshll.u32 @!p0 s4, $0x11;
	s6 =	sadd.s32 @!p0 $0x11B8D, s6;
	_ =	swait.eq @!p0 [sflag:s5], $0x1  }
0xb2: {  	s4 =	sor.u32 @!p0 s4, s6;
	[sflag:s5] =	ssyncadd.s32 @!p0 $0xFFFFFFFF  }
0xb3: {  	s25 =	simm.s32 $0x1B8E;
	s24 =	sld [smem:$0x3FFE];
	[sflag:s4] =	ssyncadd.remote.s32 @!p0 $0x1  }
0xb4: {  	s26 =	simm.s32 $execute0_lowered;
	[smem:$0x3FD2] =	sst s25  }
0xb5: {  	s5 =	sshll.u32 s26, $0x1;
	_ =	strace $0x8000004F;
	[dreg:$0x1] =	wrdreg $0xFFFFFFFF  }
0xb6: {  	s28 =	simm.s32 $_size_execute0_lowered;
	s3 =	sadd.s32 s3, s5;
	[dreg:$0x0] =	wrdreg $0x0  }
0xb7: {  	s5 =	sshll.u32 s28, $0x1;
	[dreg:$0x2] =	wrdreg s3  }
0xb8: {  	[dreg:$0x3] =	wrdreg s5  }
0xb9: {  	[dreg:$0x4] =	wrdreg $0xC0  }
0xba: {  	_ =	task [dreg:s22], $0x5FFFF  }
0xbb: {  	[dreg:$0x1] =	wrdreg $0xFFFFFFFF  }
0xbc: {  	[dreg:$0x0] =	wrdreg $0x60  }
0xbd: {  	[dreg:$0x2] =	wrdreg s24  }
0xbe: {  	[dreg:$0x3] =	wrdreg $0xA000  }
0xbf: {  	[dreg:$0x4] =	wrdreg $0x9  }
0xc0: {  	_ =	task.clear_ibuf [dreg:s22], $0x5FFFF;
	_ =	strace $0x9000004F  }
0xc1: {  	s29 =	simm.s32 $0x9;
	_ =	strace $0x80000051  }
0xc2: {  	_ =	swait.ge [sflag:s29], $0x1  }
0xc3: {  	[sflag:s29] =	ssyncadd.s32 $0xFFFFFFFF  }
0xc4: {  	_ =	strace $0x90000051  }
0xc5: {  	_ =	sfence  }
0xc6: {  	s30 =	sld [smem:$0x0];
	_ =	sdelay $0x2  }
0xc7: {  	s31 =	sshll.u32 s1, $0xD;
	s1 =	sshrl.u32 s1, $0x2  }
0xc8: {  	s4 =	sand.u32 $0x4000, s31;
	s1 =	sadd.s32 s1, s30  }
0xc9: {  	s0 =	sor.u32 s4, s0;
	s1 =	sshll.u32 s1, $0x11  }
0xca: {  	s0 =	sor.u32 s1, s0  }
0xcb: {  	s0 =	sadd.s32 $0x8F2B, s0  }
0xcc: {  	[sflag:s0] =	ssyncadd.remote.s32 $0x1  }
0xcd: {  	_ =	sfence.sel $0xFFFF  }
0xce: {  	[dreg:$0x0] =	wrdreg $0xFFFFFFFF;
	(pc) =	sbr.abs _section_cstart, $3  }
0xcf: {  	[dreg:$0x1] =	wrdreg $0xFFFFFFFF  }
0xd0: {  	_ =	task.clear_ibuf [dreg:s22], $0x2FFFF;
	_ =	strace $0x9FFFFFFF  }
0xd1: {  	(tm) =	ssettm $0x7FFFFFFF  }
tec
execute0_lowered:
.L_overlay_start_1:
0x0: {  	(tag) =	ssettag $0x1  }
0x1: {  	s1 =	srdreg.scid  }
0x2: {  	s0 =	stileid.u32;
	s4 =	rddreg [dreg:$0x0]  }
0x3: {  	s2 =	rddreg [dreg:$0x1];
	s3 =	simm.s32 $0x0;
	s15 =	simm.s32 $0x18A00  }
0x4: {  	s16 =	simm.s32 $0x1;
	s17 =	simm.s32 $0x2;
	s18 =	simm.s32 $0x3  }
0x5: {  	s19 =	simm.s32 $0x4;
	s20 =	simm.s32 $0x0;
	s7 =	sand.u32 $0x1, s1  }
0x6: {  	s23 =	sshll.u32 s0, $0x1;
	s1 =	rddreg [dreg:$0x2];
	s8 =	smul.u32 $0x2800, s0  }
0x7: {  	[smem:$0x7FF] =	sst s3;
	s9 =	smul.u32 $0x50000, s0;
	s11 =	sadd.s32 $0x41B800, s4  }
0x8: {  	s29 =	sshll.u32 s0, $0x6;
	s30 =	smul.u32 $0x14000, s0;
	s5 =	sor.u32 s7, s23  }
0x9: {  	_ =	strace $0x80000050;
	s25 =	ssub.s32 $0x2, s7;
	s14 =	smul.u32 $0xA000, s7  }
0xa: {  	s6 =	smul.u32 $0xA00, s5;
	s24 =	sadd.s32 s8, s4;
	s26 =	sshrl.u32 s25, $0x1  }
0xb: {  	s9 =	sshrl.u32 s9, $0x2;
	s28 =	smul.u32 $0xA000, s5;
	s5 =	sor.u32 $0x1C05, s29  }
0xc: {  	s31 =	sadd.s32 s30, s11;
	s12 =	ssub.s32 s25, s26;
	s13 =	sadd.s32 s9, s2  }
0xd: {  	s6 =	sshrl.u32 s6, $0x3;
	s9 =	smax.u32 s12, $0x1;
	s12 =	simm.s32 $0x5  }
0xe: {  	s10 =	sadd.s32 s6, s4;
	s4 =	sadd.s32 $0x9000, s24;
	s6 =	sadd.s32 s11, s28  }
0xf: {  	s11 =	sshrl.u32 s13, $0x3;
	s13 =	simm.s32 $0x80;
	s7 =	sadd.s32 $0x419000, s10  }
0x10: {  	s8 =	sadd.s32 $0x800, s6;
	s10 =	sadd.s32 s14, s31;
	s14 =	simm.s32 $0x14A00  }
.LBB2_1:
0x11: {  	[spmem:s11], [sflag:s5] =	dma.local [hbm:s4], $0x2800  }
0x12: {  	_ =	swait.ge [sflag:s12], $0x2800  }
0x13: {  	[sflag:s12] =	ssyncset.done $0x0  }
0x14: {  	[sflag:s12] =	ssyncadd.s32 $0xFFFFD800  }
0x15: {  	[bflag:$0x0] =	sbarrier.arrive $0xFFFF  }
0x16: {  	[tilespmem:s3], [sflag:$0x5] =	stream.linear.gather [hbm4b:s7+s3], $0xA00, $0x38;
	[tilespmem:$0x1CA00] =	vst v63  }
0x17: {  	_ =	swait.ge [sflag:s12], $0xA00  }
0x18: {  	[sflag:s12] =	ssyncset.done $0x0  }
0x19: {  	[sflag:s12] =	ssyncadd.s32 $0xFFFFF600  }
0x1a: {  	[tilespmem:s14], [sflag:$0x1] =	stream.indirect.gather [spmem:s2], $0x80, s3, s13, $0xb8;
	[tilespmem:$0x1CA00] =	vst v63  }
0x1b: {  	_ = 	snop  }
0x1c: {  	[tilespmem:s15], [sflag:$0x2] =	stream.indirect.gather [spmem:s2], $0x80, s13, s13, $0xb8;
	[tilespmem:$0x1CA00] =	vst v63  }
0x1d: {  	_ =	swait.ge [sflag:s16], $0x4000  }
0x1e: {  	[sflag:s16] =	ssyncset.done $0x0  }
0x1f: {  	[sflag:s16] =	ssyncadd.s32 $0xFFFFC000  }
0x20: {  	[hbm4b:s6+s3] =	stream.linear.scatter [tilespmem:s14], [sflag:$0x3], $0x4000, $0x38;
	[tilespmem:$0x1CA00] =	vst v63  }
0x21: {  	_ =	swait.ge [sflag:s17], $0x4000  }
0x22: {  	[sflag:s17] =	ssyncset.done $0x0  }
0x23: {  	[sflag:s17] =	ssyncadd.s32 $0xFFFFC000  }
0x24: {  	[hbm4b:s8+s3] =	stream.linear.scatter [tilespmem:s15], [sflag:$0x4], $0x4000, $0x38;
	[tilespmem:$0x1CA00] =	vst v63  }
0x25: {  	_ =	swait.ge [sflag:s18], $0x4000  }
0x26: {  	[sflag:s18] =	ssyncset.done $0x0  }
0x27: {  	s21 =	simm.s32 $0x100;
	[sflag:s18] =	ssyncadd.s32 $0xFFFFC000  }
0x28: {  	[tilespmem:s14], [sflag:$0x1] =	stream.indirect.gather [spmem:s2], $0x80, s21, s13, $0xb8;
	[tilespmem:$0x1CA00] =	vst v63  }
0x29: {  	_ =	swait.ge [sflag:s19], $0x4000  }
0x2a: {  	[sflag:s19] =	ssyncset.done $0x0  }
0x2b: {  	s30 =	simm.s32 $0x180;
	[sflag:s19] =	ssyncadd.s32 $0xFFFFC000  }
0x2c: {  	[tilespmem:s15], [sflag:$0x2] =	stream.indirect.gather [spmem:s2], $0x80, s30, s13, $0xb8;
	[tilespmem:$0x1CA00] =	vst v63  }
0x2d: {  	_ =	swait.ge [sflag:s16], $0x4000  }
0x2e: {  	s22 =	sadd.s32 $0x0, s10;
	[sflag:s16] =	ssyncset.done $0x0  }
0x2f: {  	s31 =	sadd.s32 $0x1000, s22;
	[sflag:s16] =	ssyncadd.s32 $0xFFFFC000  }
0x30: {  	[hbm4b:s31+s3] =	stream.linear.scatter [tilespmem:s14], [sflag:$0x3], $0x4000, $0x38;
	[tilespmem:$0x1CA00] =	vst v63  }
0x31: {  	_ =	swait.ge [sflag:s17], $0x4000  }
0x32: {  	s23 =	sadd.s32 $0x1800, s22;
	[sflag:s17] =	ssyncset.done $0x0  }
0x33: {  	s22 =	simm.s32 $0x200;
	s21 =	simm.s32 $0x1000;
	[sflag:s17] =	ssyncadd.s32 $0xFFFFC000  }
.LBB2_2:
0x34: {  	[hbm4b:s23+s3] =	stream.linear.scatter [tilespmem:s15], [sflag:$0x4], $0x4000, $0x38;
	[tilespmem:$0x1CA00] =	vst v63  }
0x35: {  	s23 =	smov.u32 s21  }
0x36: {  	p0 =	sne.s32 s21, $0x8000;
	s21 =	sadd.s32 $0x1000, s21;
	_ =	swait.ge [sflag:s18], $0x4000  }
0x37: {  	[sflag:s18] =	ssyncset.done $0x0  }
0x38: {  	[sflag:s18] =	ssyncadd.s32 $0xFFFFC000  }
0x39: {  	[tilespmem:s14], [sflag:$0x1] =	stream.indirect.gather [spmem:s2], $0x80, s22, s13, $0xb8;
	[tilespmem:$0x1CA00] =	vst v63  }
0x3a: {  	_ =	swait.ge [sflag:s19], $0x4000  }
0x3b: {  	[sflag:s19] =	ssyncset.done $0x0  }
0x3c: {  	s24 =	sadd.s32 $0x80, s22;
	[sflag:s19] =	ssyncadd.s32 $0xFFFFC000  }
0x3d: {  	[tilespmem:s15], [sflag:$0x2] =	stream.indirect.gather [spmem:s2], $0x80, s24, s13, $0xb8;
	[tilespmem:$0x1CA00] =	vst v63  }
0x3e: {  	_ =	swait.ge [sflag:s16], $0x4000  }
0x3f: {  	s23 =	sadd.s32 s23, s10;
	[sflag:s16] =	ssyncset.done $0x0  }
.Ltmp0:
0x40: {  	s24 =	sadd.s32 $0x1000, s23;
	[sflag:s16] =	ssyncadd.s32 $0xFFFFC000;
	(pc) =	sbr.rel @p0 .LBB2_2-.Ltmp0, $4  }
0x41: {  	[hbm4b:s24+s3] =	stream.linear.scatter [tilespmem:s14], [sflag:$0x3], $0x4000, $0x38;
	[tilespmem:$0x1CA00] =	vst v63  }
0x42: {  	_ =	swait.ge [sflag:s17], $0x4000  }
0x43: {  	[sflag:s17] =	ssyncset.done $0x0  }
0x44: {  	s22 =	sadd.s32 $0x100, s22;
	s23 =	sadd.s32 $0x1800, s23;
	[sflag:s17] =	ssyncadd.s32 $0xFFFFC000  }
0x45: {  	[hbm4b:s23+s3] =	stream.linear.scatter [tilespmem:s15], [sflag:$0x4], $0x4000, $0x38;
	[tilespmem:$0x1CA00] =	vst v63  }
0x46: {  	s20 =	sadd.s32 $0x1, s20  }
0x47: {  	_ =	swait.ge [sflag:s18], $0x4000;
	p0 =	sne.s32 s20, s9  }
.Ltmp1:
0x48: {  	[sflag:s18] =	ssyncset.done $0x0;
	(pc) =	sbr.rel @p0 .LBB2_1-.Ltmp1, $4  }
0x49: {  	[sflag:s18] =	ssyncadd.s32 $0xFFFFC000  }
0x4a: {  	_ =	swait.ge [sflag:s19], $0x4000  }
0x4b: {  	[sflag:s19] =	ssyncset.done $0x0  }
0x4c: {  	[sflag:s19] =	ssyncadd.s32 $0xFFFFC000  }
0x4d: {  	_ =	sfence.sel $0x180000  }
0x4e: {  	[bflag:$0x0] =	sbarrier.arrive $0xFFFF  }
0x4f: {  	p0 =	sne.s32 s0, $0x0;
	_ =	strace $0x90000050  }
0x50: {  	s0 =	sadd.s32 @!p0 $0x100000, s1;
	[bflag:$0x2] =	sbarrier.arrive $0xFFFF  }
0x51: {  	[sflag:s0] =	ssyncadd.tile.s32 @!p0 $0x1;
	_ =	shalt  }
.Lfunc_end2:
_tile_overlayer_lowered:
.L_overlay_start_2:
0x52: {  	(tag) =	ssettag $0x2  }
0x53: {  	s0 =	rddreg [dreg:$0x0];
	s2 =	stileid.u32  }
0x54: {  	s1 =	rddreg [dreg:$0x1];
	p0 =	sne.s32 s2, $0x0  }
0x55: {  	s3 =	rddreg [dreg:$0x2];
	[bflag:$0x3] =	sbarrier.arrive $0xFFFF;
	s2 =	simm.s32 @!p0 $0x1C05  }
0x56: {  	[timem:s3], [sflag:s2] =	dma.local @!p0 [hbm:s0], s1  }
0x57: {  	s0 =	simm.s32 @!p0 $0x5  }
0x58: {  	_ =	swait.ge @!p0 [sflag:s0], s1  }
0x59: {  	s1 =	ssub.s32 @!p0 $0x0, s1;
	[sflag:s0] =	ssyncset.done @!p0 $0x0  }
0x5a: {  	[sflag:s0] =	ssyncadd.s32 @!p0 s1  }
0x5b: {  	[bflag:$0x3] =	sbarrier.arrive $0xFFFF  }
0x5c: {  	_ =	shalt  }

// kernel: kernel.14.cloned.1.call-start
scs
__scs_entry_jumppad:
0x0: {  	(pc) =	sbr.rel $0x88, $3  }
0x1: {  	(tag) =	ssettag $0x0;
	lr =	simm.s32 $0x1  }
0x2: {  	[smem:$0x3F99] =	sst lr;
	_ =	strace $0xD0000000  }
0x3: {  	_ = 	snop  }
0x4: {  	_ = 	snop  }
0x5: {  	_ = 	snop  }
0x6: {  	_ = 	snop  }
0x7: {  	_ = 	snop  }
__scs_overlays_trampoline_lowered:
0x8: {  	[smem:$0x3FA8] =	sst s0  }
0x9: {  	[smem:$0x3FA9] =	sst s1  }
0xa: {  	[smem:$0x3FAA] =	sst s2  }
0xb: {  	[smem:$0x3FAB] =	sst s3  }
0xc: {  	[smem:$0x3FAC] =	sst s4  }
0xd: {  	[smem:$0x3FAD] =	sst s5  }
0xe: {  	[smem:$0x3FAE] =	sst s6  }
0xf: {  	[smem:$0x3FAF] =	sst s7  }
0x10: {  	[smem:$0x3FB0] =	sst s8  }
0x11: {  	[smem:$0x3FB1] =	sst s9;
	s0 =	simm.s32 @!p0 $0x0  }
0x12: {  	s1 =	sld [smem:$0x3F97];
	s0 =	simm.s32 @p0 $0x1  }
0x13: {  	[smem:$0x3FB2] =	sst s0;
	s0 =	simm.s32 @!p1 $0x0  }
0x14: {  	s2 =	sld [smem:$0x3F96];
	s0 =	simm.s32 @p1 $0x1  }
0x15: {  	[smem:$0x3FB3] =	sst s0;
	s0 =	simm.s32 @!p2 $0x0  }
0x16: {  	s3 =	sld [smem:$0x3FDB];
	s0 =	simm.s32 @p2 $0x1  }
0x17: {  	s4 =	simm.s32 $0x1BF5;
	[smem:$0x3FB5] =	sst s0  }
0x18: {  	s0 =	sld [smem:$0x3F98];
	_ =	swait.ge [sflag:s4], $0x0  }
0x19: {  	s7 =	sld [smem:$0x3F99]  }
0x1a: {  	s8 =	sadd.s32 $0xFFFFE003, lr  }
0x1b: {  	s9 =	sadd.s32 $0xFFFFFEF7, lr;
	s5 =	simm.s32 $0xFFFFFFFF;
	p2 =	slt.u32 s8, $0xFFFFF086  }
0x1c: {  	p1 =	slt.u32 s9, $0xF7A;
	s5 =	simm.s32 @!p2 $0x0  }
0x1d: {  	s5 =	simm.s32 @p1 $0x1;
	p0 =	seq.s32 s7, s2  }
0x1e: {  	s7 =	smul.u32 @!p0 $0xF7A, s2;
	p2 =	seq.s32 @!p0 s5, $0x0  }
0x1f: {  	s9 =	smul.u32 $0xF7A, s1;
	s8 =	simm.s32 @!p0 $0x1BF5;
	p2 =	por !p2, p0  }
0x20: {  	[sflag:s8] =	ssyncset.s32 @!p0 $0xFFFFF086;
	s6 =	sadd.s32 @!p0 s3, s7;
	s7 =	simm.s32 @!p0 $0x108  }
0x21: {  	s3 =	sadd.s32 s3, s9;
	s6 =	sadd.s32 @!p0 $0x88, s6;
	s7 =	simm.s32 @p2 $0x1082  }
0x22: {  	[simem:s7], [sflag:s8] =	dma.local @!p0 [hbm:s6], $0xF7A  }
0x23: {  	s9 =	sor.u32 $0xD0000000, s2;
	s6 =	simm.s32 $0x108;
	_ =	swait.ge @!p0 [sflag:s8], $0x0  }
0x24: {  	s3 =	sadd.s32 $0x88, s3;
	s6 =	simm.s32 @!p1 $0x1082;
	[sflag:s4] =	ssyncset.s32 $0xFFFFF086  }
0x25: {  	[simem:s6], [sflag:s4] =	dma.local [hbm:s3], $0xF7A  }
0x26: {  	[smem:$0x3F99] =	sst s1;
	(tag) =	ssettag s2;
	_ =	strace s9  }
0x27: {  	s1 =	sld [smem:$0x3FA9]  }
0x28: {  	s2 =	sld [smem:$0x3FAA]  }
0x29: {  	s4 =	sld [smem:$0x3FAC]  }
0x2a: {  	p0 =	seq.s32 s5, $0x0;
	s5 =	sld [smem:$0x3FAD]  }
0x2b: {  	s6 =	sld [smem:$0x3FAE]  }
0x2c: {  	s7 =	sld [smem:$0x3FAF]  }
0x2d: {  	s3 =	simm.s32 $0x108;
	s8 =	sld [smem:$0x3FB0]  }
0x2e: {  	s3 =	simm.s32 @!p0 $0x1082;
	s9 =	sld [smem:$0x3FB1]  }
0x2f: {  	lr =	sadd.s32 s0, s3;
	s0 =	sld [smem:$0x3FA8]  }
0x30: {  	s3 =	sld [smem:$0x3FAB]  }
0x31: {  	[smem:$0x3FB4] =	sst s10  }
0x32: {  	s10 =	sld [smem:$0x3FB2];
	_ =	sdelay $0x3  }
0x33: {  	p0 =	seq.s32 s10, $0x1;
	s10 =	sld [smem:$0x3FB4];
	_ =	sdelay $0x3  }
0x34: {  	[smem:$0x3FB4] =	sst s10  }
0x35: {  	s10 =	sld [smem:$0x3FB3];
	_ =	sdelay $0x3  }
0x36: {  	p1 =	seq.s32 s10, $0x1;
	s10 =	sld [smem:$0x3FB4];
	_ =	sdelay $0x3  }
0x37: {  	[smem:$0x3FB4] =	sst s10  }
0x38: {  	s10 =	sld [smem:$0x3FB5]  }
0x39: {  	_ = 	snop;
	(pc) =	sbr.ind lr, $3  }
0x3a: {  	_ = 	snop  }
0x3b: {  	_ = 	snop  }
0x3c: {  	p2 =	seq.s32 s10, $0x1;
	s10 =	sld [smem:$0x3FB4]  }
0x3d: {  	_ =	shalt  }
0x3e: {  	_ =	shalt  }
0x3f: {  	_ =	shalt  }
0x40: {  	_ =	shalt  }
0x41: {  	_ =	shalt  }
0x42: {  	_ =	shalt  }
0x43: {  	_ =	shalt  }
0x44: {  	_ =	shalt  }
0x45: {  	_ =	shalt  }
0x46: {  	_ =	shalt  }
0x47: {  	_ =	shalt  }
0x48: {  	_ =	shalt  }
0x49: {  	_ =	shalt  }
0x4a: {  	_ =	shalt  }
0x4b: {  	_ =	shalt  }
0x4c: {  	_ =	shalt  }
0x4d: {  	_ =	shalt  }
0x4e: {  	_ =	shalt  }
0x4f: {  	_ =	shalt  }
0x50: {  	_ =	shalt  }
0x51: {  	_ =	shalt  }
0x52: {  	_ =	shalt  }
0x53: {  	_ =	shalt  }
0x54: {  	_ =	shalt  }
0x55: {  	_ =	shalt  }
0x56: {  	_ =	shalt  }
0x57: {  	_ =	shalt  }
0x58: {  	_ =	shalt  }
0x59: {  	_ =	shalt  }
0x5a: {  	_ =	shalt  }
0x5b: {  	_ =	shalt  }
0x5c: {  	_ =	shalt  }
0x5d: {  	_ =	shalt  }
0x5e: {  	_ =	shalt  }
0x5f: {  	_ =	shalt  }
0x60: {  	_ =	shalt  }
0x61: {  	_ =	shalt  }
0x62: {  	_ =	shalt  }
0x63: {  	_ =	shalt  }
0x64: {  	_ =	shalt  }
0x65: {  	_ =	shalt  }
0x66: {  	_ =	shalt  }
0x67: {  	_ =	shalt  }
0x68: {  	_ =	shalt  }
0x69: {  	_ =	shalt  }
0x6a: {  	_ =	shalt  }
0x6b: {  	_ =	shalt  }
0x6c: {  	_ =	shalt  }
0x6d: {  	_ =	shalt  }
0x6e: {  	_ =	shalt  }
0x6f: {  	_ =	shalt  }
0x70: {  	_ =	shalt  }
0x71: {  	_ =	shalt  }
0x72: {  	_ =	shalt  }
0x73: {  	_ =	shalt  }
0x74: {  	_ =	shalt  }
0x75: {  	_ =	shalt  }
0x76: {  	_ =	shalt  }
0x77: {  	_ =	shalt  }
0x78: {  	_ =	shalt  }
0x79: {  	_ =	shalt  }
0x7a: {  	_ =	shalt  }
0x7b: {  	_ =	shalt  }
0x7c: {  	_ =	shalt  }
0x7d: {  	_ =	shalt  }
0x7e: {  	_ =	shalt  }
0x7f: {  	_ =	shalt  }
0x80: {  	_ =	shalt  }
0x81: {  	_ =	shalt  }
0x82: {  	_ =	shalt  }
0x83: {  	_ =	shalt  }
0x84: {  	_ =	shalt  }
0x85: {  	_ =	shalt  }
0x86: {  	_ =	shalt  }
0x87: {  	_ =	shalt  }
.Lfunc_end0:
.L_simem_size_0:
called_computation.1_lowered:
.L_overlay_start_0:
0x88: {  	s2 =	sld [smem:$0x3FD9]  }
0x89: {  	s3 =	sld [smem:$0x3FFE];
	_ =	sdelay $0x1  }
0x8a: {  	s1 =	srdreg.scid  }
0x8b: {  	s0 =	sand.u32 $0x1, s1  }
0x8c: {  	s17 =	sshll.u32 s0, $0xA;
	s2 =	sadd.s32 s3, s2  }
0x8d: {  	s2 =	sadd.s32 s2, s17  }
0x8e: {  	[smem:$0x3FC0] =	sst s2  }
0x8f: {  	_ = 	snop  }
0x90: {  	s18 =	sld [smem:$0x3FD0];
	(tm) =	ssettm $0x1  }
0x91: {  	s19 =	sld [smem:$0x3FFB];
	_ =	sdelay $0x3  }
0x92: {  	_ =	strace s19  }
0x93: {  	s2 =	sld [smem:$0x3FFC];
	_ =	sdelay $0x3  }
0x94: {  	_ =	strace s2  }
0x95: {  	s2 =	sld [smem:$0x3FFD];
	_ =	sdelay $0x3  }
0x96: {  	_ =	strace s2  }
0x97: {  	_ =	strace $0x8FFFFFFF  }
0x98: {  	s20 =	sld [smem:$0x3FDB];
	_ =	sdelay $0x1  }
0x99: {  	s4 =	simm.s32 $_scs_section_size  }
0x9a: {  	s5 =	simm.s32 $_size__tile_overlayer_lowered;
	s6 =	simm.s32 $_tile_overlayer_lowered  }
0x9b: {  	s7 =	simm.s32 $0x1BFF;
	s21 =	sshll.u32 s6, $0x1;
	s4 =	sadd.s32 s4, s20  }
0x9c: {  	s22 =	simm.s32 $0x0;
	s5 =	sshll.u32 s5, $0x1;
	s6 =	sadd.s32 s21, s4  }
0x9d: {  	[timem:s22], [sflag:s7] =	dma.local [hbm:s6], s5  }
0x9e: {  	_ =	swait.ge [sflag:s7], s5  }
0x9f: {  	s5 =	ssub.s32 $0x0, s5;
	[sflag:s7] =	ssyncset.done $0x0  }
0xa0: {  	[sflag:s7] =	ssyncadd.s32 s5;
	_ =	sdelay $0x1  }
0xa1: {  	s23 =	simm.s32 $0x1B8B  }
0xa2: {  	_ =	swait.ge [sflag:s23], $0x1  }
0xa3: {  	[sflag:s23] =	ssyncset.done $0x0  }
0xa4: {  	[sflag:s23] =	ssyncadd.s32 $0xFFFFFFFF  }
0xa5: {  	s5 =	sld [smem:$0x0]  }
0xa6: {  	s6 =	sand.u32 $0xFFFFFFFE, s1  }
0xa7: {  	p0 =	sne.s32 s1, s6  }
0xa8: {  	s6 =	sshll.u32 @p0 s6, $0xE  }
0xa9: {  	s6 =	sadd.s32 @p0 $0x11B8D, s6;
	s7 =	sshll.u32 @p0 s5, $0x11  }
0xaa: {  	s6 =	sor.u32 @p0 s7, s6  }
0xab: {  	[sflag:s6] =	ssyncadd.remote.s32 @p0 $0x1;
	_ =	sdelay $0x1  }
0xac: {  	s6 =	simm.s32 @p0 $0x1B8D  }
0xad: {  	_ =	swait.eq @p0 [sflag:s6], $0x1  }
0xae: {  	[sflag:s6] =	ssyncadd.s32 @p0 $0xFFFFFFFF  }
0xaf: {  	s7 =	sshll.u32 @!p0 s1, $0xE  }
0xb0: {  	s7 =	sor.u32 @!p0 $0x4000, s7;
	s6 =	simm.s32 @!p0 $0x1B8D  }
0xb1: {  	s5 =	sshll.u32 @!p0 s5, $0x11;
	s7 =	sadd.s32 @!p0 $0x11B8D, s7;
	_ =	swait.eq @!p0 [sflag:s6], $0x1  }
0xb2: {  	s5 =	sor.u32 @!p0 s5, s7;
	[sflag:s6] =	ssyncadd.s32 @!p0 $0xFFFFFFFF  }
0xb3: {  	s25 =	simm.s32 $0x1B8E;
	s24 =	sld [smem:$0x3FFE];
	[sflag:s5] =	ssyncadd.remote.s32 @!p0 $0x1  }
0xb4: {  	s26 =	simm.s32 $execute0_lowered;
	[smem:$0x3FD2] =	sst s25  }
0xb5: {  	s6 =	sshll.u32 s26, $0x1;
	_ =	strace $0x8000004C;
	[dreg:$0x1] =	wrdreg $0xFFFFFFFF  }
0xb6: {  	s28 =	simm.s32 $_size_execute0_lowered;
	s4 =	sadd.s32 s4, s6;
	[dreg:$0x0] =	wrdreg $0x0  }
0xb7: {  	s6 =	sshll.u32 s28, $0x1;
	[dreg:$0x2] =	wrdreg s4  }
0xb8: {  	[dreg:$0x3] =	wrdreg s6  }
0xb9: {  	[dreg:$0x4] =	wrdreg $0xC0  }
0xba: {  	_ =	task [dreg:s22], $0x5FFFF  }
0xbb: {  	[dreg:$0x1] =	wrdreg $0xFFFFFFFF  }
0xbc: {  	[dreg:$0x0] =	wrdreg $0x60  }
0xbd: {  	[dreg:$0x2] =	wrdreg s18  }
0xbe: {  	[dreg:$0x3] =	wrdreg s24  }
0xbf: {  	[dreg:$0x4] =	wrdreg $0xA000  }
0xc0: {  	[dreg:$0x5] =	wrdreg $0xA  }
0xc1: {  	_ =	task.clear_ibuf [dreg:s22], $0x6FFFF;
	_ =	strace $0x9000004C  }
0xc2: {  	s29 =	simm.s32 $0xA;
	_ =	strace $0x8000004E  }
0xc3: {  	_ =	swait.ge [sflag:s29], $0x1  }
0xc4: {  	[sflag:s29] =	ssyncadd.s32 $0xFFFFFFFF  }
0xc5: {  	_ =	strace $0x9000004E  }
0xc6: {  	_ =	sfence  }
0xc7: {  	s30 =	sld [smem:$0x0];
	_ =	sdelay $0x2  }
0xc8: {  	s31 =	sshll.u32 s1, $0xD;
	s1 =	sshrl.u32 s1, $0x2  }
0xc9: {  	s4 =	sand.u32 $0x4000, s31;
	s1 =	sadd.s32 s1, s30  }
0xca: {  	s0 =	sor.u32 s4, s0;
	s1 =	sshll.u32 s1, $0x11  }
0xcb: {  	s0 =	sor.u32 s1, s0  }
0xcc: {  	s0 =	sadd.s32 $0x8F2B, s0  }
0xcd: {  	[sflag:s0] =	ssyncadd.remote.s32 $0x1  }
0xce: {  	_ =	sfence.sel $0xFFFF  }
0xcf: {  	[dreg:$0x0] =	wrdreg $0xFFFFFFFF;
	(pc) =	sbr.abs _section_cstart, $3  }
0xd0: {  	[dreg:$0x1] =	wrdreg $0xFFFFFFFF  }
0xd1: {  	_ =	task.clear_ibuf [dreg:s22], $0x2FFFF;
	_ =	strace $0x9FFFFFFF  }
0xd2: {  	(tm) =	ssettm $0x7FFFFFFF  }
0xd3: {  	_ =	shalt  }
tec
execute0_lowered:
.L_overlay_start_1:
0x0: {  	(tag) =	ssettag $0x1  }
0x1: {  	s7 =	rddreg [dreg:$0x0]  }
0x2: {  	s4 =	rddreg [dreg:$0x1]  }
0x3: {  	s2 =	rddreg [dreg:$0x2]  }
0x4: {  	s1 =	stileid.u32;
	s0 =	rddreg [dreg:$0x3];
	s3 =	simm.s32 $0x0  }
0x5: {  	s6 =	srdreg.scid;
	s16 =	simm.s32 $0x1;
	s17 =	simm.s32 $0x2  }
0x6: {  	s18 =	simm.s32 $0x3;
	s19 =	simm.s32 $0x4;
	s20 =	simm.s32 $0x0  }
0x7: {  	s5 =	smul.u32 $0x2800, s1;
	[smem:$0x7FF] =	sst s3;
	s8 =	sand.u32 $0x1, s6  }
0x8: {  	s9 =	sshll.u32 s1, $0x1;
	s10 =	smul.u32 $0x50000, s1;
	s11 =	sadd.s32 $0x2D9000, s4  }
0x9: {  	s30 =	sshll.u32 s1, $0x6;
	s31 =	smul.u32 $0x14000, s1;
	_ =	strace $0x8000004D  }
0xa: {  	s6 =	ssub.s32 $0x2, s8;
	s9 =	sor.u32 s8, s9;
	s15 =	smul.u32 $0xA000, s8  }
0xb: {  	s5 =	sadd.s32 s5, s4;
	s26 =	sshrl.u32 s6, $0x1;
	s28 =	smul.u32 $0xA00, s9  }
0xc: {  	s29 =	sshrl.u32 s10, $0x2;
	s9 =	smul.u32 $0xA000, s9;
	s10 =	sadd.s32 s31, s11  }
0xd: {  	s12 =	ssub.s32 s6, s26;
	s13 =	sadd.s32 s29, s2;
	s4 =	sadd.s32 $0x9000, s5  }
0xe: {  	s5 =	sor.u32 $0x1C05, s30;
	s10 =	sadd.s32 s15, s10;
	s15 =	simm.s32 $0x18A00  }
0xf: {  	s14 =	sshrl.u32 s28, $0x3;
	s6 =	sadd.s32 s11, s9;
	s9 =	smax.u32 s12, $0x1  }
0x10: {  	s11 =	sshrl.u32 s13, $0x3;
	s12 =	simm.s32 $0x5;
	s13 =	simm.s32 $0x80  }
0x11: {  	s7 =	sadd.s32 s7, s14;
	s8 =	sadd.s32 $0x800, s6;
	s14 =	simm.s32 $0x14A00  }
.LBB2_1:
0x12: {  	[spmem:s11], [sflag:s5] =	dma.local [hbm:s4], $0x2800  }
0x13: {  	_ =	swait.ge [sflag:s12], $0x2800  }
0x14: {  	[sflag:s12] =	ssyncset.done $0x0  }
0x15: {  	[sflag:s12] =	ssyncadd.s32 $0xFFFFD800  }
0x16: {  	[bflag:$0x0] =	sbarrier.arrive $0xFFFF  }
0x17: {  	[tilespmem:s3], [sflag:$0x5] =	stream.linear.gather [hbm4b:s7+s3], $0xA00, $0x38;
	[tilespmem:$0x1CA00] =	vst v63  }
0x18: {  	_ =	swait.ge [sflag:s12], $0xA00  }
0x19: {  	[sflag:s12] =	ssyncset.done $0x0  }
0x1a: {  	[sflag:s12] =	ssyncadd.s32 $0xFFFFF600  }
0x1b: {  	[tilespmem:s14], [sflag:$0x1] =	stream.indirect.gather [spmem:s2], $0x80, s3, s13, $0xb8;
	[tilespmem:$0x1CA00] =	vst v63  }
0x1c: {  	_ = 	snop  }
0x1d: {  	[tilespmem:s15], [sflag:$0x2] =	stream.indirect.gather [spmem:s2], $0x80, s13, s13, $0xb8;
	[tilespmem:$0x1CA00] =	vst v63  }
0x1e: {  	_ =	swait.ge [sflag:s16], $0x4000  }
0x1f: {  	[sflag:s16] =	ssyncset.done $0x0  }
0x20: {  	[sflag:s16] =	ssyncadd.s32 $0xFFFFC000  }
0x21: {  	[hbm4b:s6+s3] =	stream.linear.scatter [tilespmem:s14], [sflag:$0x3], $0x4000, $0x38;
	[tilespmem:$0x1CA00] =	vst v63  }
0x22: {  	_ =	swait.ge [sflag:s17], $0x4000  }
0x23: {  	[sflag:s17] =	ssyncset.done $0x0  }
0x24: {  	[sflag:s17] =	ssyncadd.s32 $0xFFFFC000  }
0x25: {  	[hbm4b:s8+s3] =	stream.linear.scatter [tilespmem:s15], [sflag:$0x4], $0x4000, $0x38;
	[tilespmem:$0x1CA00] =	vst v63  }
0x26: {  	_ =	swait.ge [sflag:s18], $0x4000  }
0x27: {  	[sflag:s18] =	ssyncset.done $0x0  }
0x28: {  	s21 =	simm.s32 $0x100;
	[sflag:s18] =	ssyncadd.s32 $0xFFFFC000  }
0x29: {  	[tilespmem:s14], [sflag:$0x1] =	stream.indirect.gather [spmem:s2], $0x80, s21, s13, $0xb8;
	[tilespmem:$0x1CA00] =	vst v63  }
0x2a: {  	_ =	swait.ge [sflag:s19], $0x4000  }
0x2b: {  	[sflag:s19] =	ssyncset.done $0x0  }
0x2c: {  	s30 =	simm.s32 $0x180;
	[sflag:s19] =	ssyncadd.s32 $0xFFFFC000  }
0x2d: {  	[tilespmem:s15], [sflag:$0x2] =	stream.indirect.gather [spmem:s2], $0x80, s30, s13, $0xb8;
	[tilespmem:$0x1CA00] =	vst v63  }
0x2e: {  	_ =	swait.ge [sflag:s16], $0x4000  }
0x2f: {  	s22 =	sadd.s32 $0x0, s10;
	[sflag:s16] =	ssyncset.done $0x0  }
0x30: {  	s31 =	sadd.s32 $0x1000, s22;
	[sflag:s16] =	ssyncadd.s32 $0xFFFFC000  }
0x31: {  	[hbm4b:s31+s3] =	stream.linear.scatter [tilespmem:s14], [sflag:$0x3], $0x4000, $0x38;
	[tilespmem:$0x1CA00] =	vst v63  }
0x32: {  	_ =	swait.ge [sflag:s17], $0x4000  }
0x33: {  	s23 =	sadd.s32 $0x1800, s22;
	[sflag:s17] =	ssyncset.done $0x0  }
0x34: {  	s22 =	simm.s32 $0x200;
	s21 =	simm.s32 $0x1000;
	[sflag:s17] =	ssyncadd.s32 $0xFFFFC000  }
.LBB2_2:
0x35: {  	[hbm4b:s23+s3] =	stream.linear.scatter [tilespmem:s15], [sflag:$0x4], $0x4000, $0x38;
	[tilespmem:$0x1CA00] =	vst v63  }
0x36: {  	s23 =	smov.u32 s21  }
0x37: {  	p0 =	sne.s32 s21, $0x8000;
	s21 =	sadd.s32 $0x1000, s21;
	_ =	swait.ge [sflag:s18], $0x4000  }
0x38: {  	[sflag:s18] =	ssyncset.done $0x0  }
0x39: {  	[sflag:s18] =	ssyncadd.s32 $0xFFFFC000  }
0x3a: {  	[tilespmem:s14], [sflag:$0x1] =	stream.indirect.gather [spmem:s2], $0x80, s22, s13, $0xb8;
	[tilespmem:$0x1CA00] =	vst v63  }
0x3b: {  	_ =	swait.ge [sflag:s19], $0x4000  }
0x3c: {  	[sflag:s19] =	ssyncset.done $0x0  }
0x3d: {  	s24 =	sadd.s32 $0x80, s22;
	[sflag:s19] =	ssyncadd.s32 $0xFFFFC000  }
0x3e: {  	[tilespmem:s15], [sflag:$0x2] =	stream.indirect.gather [spmem:s2], $0x80, s24, s13, $0xb8;
	[tilespmem:$0x1CA00] =	vst v63  }
0x3f: {  	_ =	swait.ge [sflag:s16], $0x4000  }
0x40: {  	s23 =	sadd.s32 s23, s10;
	[sflag:s16] =	ssyncset.done $0x0  }
.Ltmp0:
0x41: {  	s24 =	sadd.s32 $0x1000, s23;
	[sflag:s16] =	ssyncadd.s32 $0xFFFFC000;
	(pc) =	sbr.rel @p0 .LBB2_2-.Ltmp0, $4  }
0x42: {  	[hbm4b:s24+s3] =	stream.linear.scatter [tilespmem:s14], [sflag:$0x3], $0x4000, $0x38;
	[tilespmem:$0x1CA00] =	vst v63  }
0x43: {  	_ =	swait.ge [sflag:s17], $0x4000  }
0x44: {  	[sflag:s17] =	ssyncset.done $0x0  }
0x45: {  	s22 =	sadd.s32 $0x100, s22;
	s23 =	sadd.s32 $0x1800, s23;
	[sflag:s17] =	ssyncadd.s32 $0xFFFFC000  }
0x46: {  	[hbm4b:s23+s3] =	stream.linear.scatter [tilespmem:s15], [sflag:$0x4], $0x4000, $0x38;
	[tilespmem:$0x1CA00] =	vst v63  }
0x47: {  	s20 =	sadd.s32 $0x1, s20  }
0x48: {  	_ =	swait.ge [sflag:s18], $0x4000;
	p0 =	sne.s32 s20, s9  }
.Ltmp1:
0x49: {  	[sflag:s18] =	ssyncset.done $0x0;
	(pc) =	sbr.rel @p0 .LBB2_1-.Ltmp1, $4  }
0x4a: {  	[sflag:s18] =	ssyncadd.s32 $0xFFFFC000  }
0x4b: {  	_ =	swait.ge [sflag:s19], $0x4000  }
0x4c: {  	[sflag:s19] =	ssyncset.done $0x0  }
0x4d: {  	[sflag:s19] =	ssyncadd.s32 $0xFFFFC000  }
0x4e: {  	_ =	sfence.sel $0x180000  }
0x4f: {  	[bflag:$0x0] =	sbarrier.arrive $0xFFFF  }
0x50: {  	p0 =	sne.s32 s1, $0x0;
	_ =	strace $0x9000004D  }
0x51: {  	s0 =	sadd.s32 @!p0 $0x100000, s0;
	[bflag:$0x2] =	sbarrier.arrive $0xFFFF  }
0x52: {  	[sflag:s0] =	ssyncadd.tile.s32 @!p0 $0x1;
	_ =	shalt  }
.Lfunc_end2:
_tile_overlayer_lowered:
.L_overlay_start_2:
0x53: {  	(tag) =	ssettag $0x2  }
0x54: {  	s0 =	rddreg [dreg:$0x0];
	s2 =	stileid.u32  }
0x55: {  	s1 =	rddreg [dreg:$0x1];
	p0 =	sne.s32 s2, $0x0  }
0x56: {  	s3 =	rddreg [dreg:$0x2];
	[bflag:$0x3] =	sbarrier.arrive $0xFFFF;
	s2 =	simm.s32 @!p0 $0x1C05  }
0x57: {  	[timem:s3], [sflag:s2] =	dma.local @!p0 [hbm:s0], s1  }
0x58: {  	s0 =	simm.s32 @!p0 $0x5  }
0x59: {  	_ =	swait.ge @!p0 [sflag:s0], s1  }
0x5a: {  	s1 =	ssub.s32 @!p0 $0x0, s1;
	[sflag:s0] =	ssyncset.done @!p0 $0x0  }
0x5b: {  	[sflag:s0] =	ssyncadd.s32 @!p0 s1  }
0x5c: {  	[bflag:$0x3] =	sbarrier.arrive $0xFFFF  }
0x5d: {  	_ =	shalt  }

// kernel: kernel.17.cloned.1.call-start
scs
__scs_entry_jumppad:
0x0: {  	(pc) =	sbr.rel $0x88, $3  }
0x1: {  	(tag) =	ssettag $0x0;
	lr =	simm.s32 $0x1  }
0x2: {  	[smem:$0x3F99] =	sst lr;
	_ =	strace $0xD0000000  }
0x3: {  	_ = 	snop  }
0x4: {  	_ = 	snop  }
0x5: {  	_ = 	snop  }
0x6: {  	_ = 	snop  }
0x7: {  	_ = 	snop  }
__scs_overlays_trampoline_lowered:
0x8: {  	[smem:$0x3FA8] =	sst s0  }
0x9: {  	[smem:$0x3FA9] =	sst s1  }
0xa: {  	[smem:$0x3FAA] =	sst s2  }
0xb: {  	[smem:$0x3FAB] =	sst s3  }
0xc: {  	[smem:$0x3FAC] =	sst s4  }
0xd: {  	[smem:$0x3FAD] =	sst s5  }
0xe: {  	[smem:$0x3FAE] =	sst s6  }
0xf: {  	[smem:$0x3FAF] =	sst s7  }
0x10: {  	[smem:$0x3FB0] =	sst s8  }
0x11: {  	[smem:$0x3FB1] =	sst s9;
	s0 =	simm.s32 @!p0 $0x0  }
0x12: {  	s1 =	sld [smem:$0x3F97];
	s0 =	simm.s32 @p0 $0x1  }
0x13: {  	[smem:$0x3FB2] =	sst s0;
	s0 =	simm.s32 @!p1 $0x0  }
0x14: {  	s2 =	sld [smem:$0x3F96];
	s0 =	simm.s32 @p1 $0x1  }
0x15: {  	[smem:$0x3FB3] =	sst s0;
	s0 =	simm.s32 @!p2 $0x0  }
0x16: {  	s3 =	sld [smem:$0x3FDB];
	s0 =	simm.s32 @p2 $0x1  }
0x17: {  	s4 =	simm.s32 $0x1BF5;
	[smem:$0x3FB5] =	sst s0  }
0x18: {  	s0 =	sld [smem:$0x3F98];
	_ =	swait.ge [sflag:s4], $0x0  }
0x19: {  	s7 =	sld [smem:$0x3F99]  }
0x1a: {  	s8 =	sadd.s32 $0xFFFFE003, lr  }
0x1b: {  	s9 =	sadd.s32 $0xFFFFFEF7, lr;
	s5 =	simm.s32 $0xFFFFFFFF;
	p2 =	slt.u32 s8, $0xFFFFF086  }
0x1c: {  	p1 =	slt.u32 s9, $0xF7A;
	s5 =	simm.s32 @!p2 $0x0  }
0x1d: {  	s5 =	simm.s32 @p1 $0x1;
	p0 =	seq.s32 s7, s2  }
0x1e: {  	s7 =	smul.u32 @!p0 $0xF7A, s2;
	p2 =	seq.s32 @!p0 s5, $0x0  }
0x1f: {  	s9 =	smul.u32 $0xF7A, s1;
	s8 =	simm.s32 @!p0 $0x1BF5;
	p2 =	por !p2, p0  }
0x20: {  	[sflag:s8] =	ssyncset.s32 @!p0 $0xFFFFF086;
	s6 =	sadd.s32 @!p0 s3, s7;
	s7 =	simm.s32 @!p0 $0x108  }
0x21: {  	s3 =	sadd.s32 s3, s9;
	s6 =	sadd.s32 @!p0 $0x88, s6;
	s7 =	simm.s32 @p2 $0x1082  }
0x22: {  	[simem:s7], [sflag:s8] =	dma.local @!p0 [hbm:s6], $0xF7A  }
0x23: {  	s9 =	sor.u32 $0xD0000000, s2;
	s6 =	simm.s32 $0x108;
	_ =	swait.ge @!p0 [sflag:s8], $0x0  }
0x24: {  	s3 =	sadd.s32 $0x88, s3;
	s6 =	simm.s32 @!p1 $0x1082;
	[sflag:s4] =	ssyncset.s32 $0xFFFFF086  }
0x25: {  	[simem:s6], [sflag:s4] =	dma.local [hbm:s3], $0xF7A  }
0x26: {  	[smem:$0x3F99] =	sst s1;
	(tag) =	ssettag s2;
	_ =	strace s9  }
0x27: {  	s1 =	sld [smem:$0x3FA9]  }
0x28: {  	s2 =	sld [smem:$0x3FAA]  }
0x29: {  	s4 =	sld [smem:$0x3FAC]  }
0x2a: {  	p0 =	seq.s32 s5, $0x0;
	s5 =	sld [smem:$0x3FAD]  }
0x2b: {  	s6 =	sld [smem:$0x3FAE]  }
0x2c: {  	s7 =	sld [smem:$0x3FAF]  }
0x2d: {  	s3 =	simm.s32 $0x108;
	s8 =	sld [smem:$0x3FB0]  }
0x2e: {  	s3 =	simm.s32 @!p0 $0x1082;
	s9 =	sld [smem:$0x3FB1]  }
0x2f: {  	lr =	sadd.s32 s0, s3;
	s0 =	sld [smem:$0x3FA8]  }
0x30: {  	s3 =	sld [smem:$0x3FAB]  }
0x31: {  	[smem:$0x3FB4] =	sst s10  }
0x32: {  	s10 =	sld [smem:$0x3FB2];
	_ =	sdelay $0x3  }
0x33: {  	p0 =	seq.s32 s10, $0x1;
	s10 =	sld [smem:$0x3FB4];
	_ =	sdelay $0x3  }
0x34: {  	[smem:$0x3FB4] =	sst s10  }
0x35: {  	s10 =	sld [smem:$0x3FB3];
	_ =	sdelay $0x3  }
0x36: {  	p1 =	seq.s32 s10, $0x1;
	s10 =	sld [smem:$0x3FB4];
	_ =	sdelay $0x3  }
0x37: {  	[smem:$0x3FB4] =	sst s10  }
0x38: {  	s10 =	sld [smem:$0x3FB5]  }
0x39: {  	_ = 	snop;
	(pc) =	sbr.ind lr, $3  }
0x3a: {  	_ = 	snop  }
0x3b: {  	_ = 	snop  }
0x3c: {  	p2 =	seq.s32 s10, $0x1;
	s10 =	sld [smem:$0x3FB4]  }
0x3d: {  	_ =	shalt  }
0x3e: {  	_ =	shalt  }
0x3f: {  	_ =	shalt  }
0x40: {  	_ =	shalt  }
0x41: {  	_ =	shalt  }
0x42: {  	_ =	shalt  }
0x43: {  	_ =	shalt  }
0x44: {  	_ =	shalt  }
0x45: {  	_ =	shalt  }
0x46: {  	_ =	shalt  }
0x47: {  	_ =	shalt  }
0x48: {  	_ =	shalt  }
0x49: {  	_ =	shalt  }
0x4a: {  	_ =	shalt  }
0x4b: {  	_ =	shalt  }
0x4c: {  	_ =	shalt  }
0x4d: {  	_ =	shalt  }
0x4e: {  	_ =	shalt  }
0x4f: {  	_ =	shalt  }
0x50: {  	_ =	shalt  }
0x51: {  	_ =	shalt  }
0x52: {  	_ =	shalt  }
0x53: {  	_ =	shalt  }
0x54: {  	_ =	shalt  }
0x55: {  	_ =	shalt  }
0x56: {  	_ =	shalt  }
0x57: {  	_ =	shalt  }
0x58: {  	_ =	shalt  }
0x59: {  	_ =	shalt  }
0x5a: {  	_ =	shalt  }
0x5b: {  	_ =	shalt  }
0x5c: {  	_ =	shalt  }
0x5d: {  	_ =	shalt  }
0x5e: {  	_ =	shalt  }
0x5f: {  	_ =	shalt  }
0x60: {  	_ =	shalt  }
0x61: {  	_ =	shalt  }
0x62: {  	_ =	shalt  }
0x63: {  	_ =	shalt  }
0x64: {  	_ =	shalt  }
0x65: {  	_ =	shalt  }
0x66: {  	_ =	shalt  }
0x67: {  	_ =	shalt  }
0x68: {  	_ =	shalt  }
0x69: {  	_ =	shalt  }
0x6a: {  	_ =	shalt  }
0x6b: {  	_ =	shalt  }
0x6c: {  	_ =	shalt  }
0x6d: {  	_ =	shalt  }
0x6e: {  	_ =	shalt  }
0x6f: {  	_ =	shalt  }
0x70: {  	_ =	shalt  }
0x71: {  	_ =	shalt  }
0x72: {  	_ =	shalt  }
0x73: {  	_ =	shalt  }
0x74: {  	_ =	shalt  }
0x75: {  	_ =	shalt  }
0x76: {  	_ =	shalt  }
0x77: {  	_ =	shalt  }
0x78: {  	_ =	shalt  }
0x79: {  	_ =	shalt  }
0x7a: {  	_ =	shalt  }
0x7b: {  	_ =	shalt  }
0x7c: {  	_ =	shalt  }
0x7d: {  	_ =	shalt  }
0x7e: {  	_ =	shalt  }
0x7f: {  	_ =	shalt  }
0x80: {  	_ =	shalt  }
0x81: {  	_ =	shalt  }
0x82: {  	_ =	shalt  }
0x83: {  	_ =	shalt  }
0x84: {  	_ =	shalt  }
0x85: {  	_ =	shalt  }
0x86: {  	_ =	shalt  }
0x87: {  	_ =	shalt  }
.Lfunc_end0:
.L_simem_size_0:
called_computation.2_lowered:
.L_overlay_start_0:
0x88: {  	s2 =	sld [smem:$0x3FD9]  }
0x89: {  	s3 =	sld [smem:$0x3FFE];
	_ =	sdelay $0x1  }
0x8a: {  	s1 =	srdreg.scid  }
0x8b: {  	s0 =	sand.u32 $0x1, s1  }
0x8c: {  	s17 =	sshll.u32 s0, $0xA;
	s2 =	sadd.s32 s3, s2  }
0x8d: {  	s2 =	sadd.s32 s2, s17  }
0x8e: {  	[smem:$0x3FC0] =	sst s2  }
0x8f: {  	_ = 	snop  }
0x90: {  	(tm) =	ssettm $0x1  }
0x91: {  	s18 =	sld [smem:$0x3FFB];
	_ =	sdelay $0x3  }
0x92: {  	_ =	strace s18  }
0x93: {  	s2 =	sld [smem:$0x3FFC];
	_ =	sdelay $0x3  }
0x94: {  	_ =	strace s2  }
0x95: {  	s2 =	sld [smem:$0x3FFD];
	_ =	sdelay $0x3  }
0x96: {  	_ =	strace s2  }
0x97: {  	_ =	strace $0x8FFFFFFF  }
0x98: {  	s19 =	sld [smem:$0x3FDB];
	_ =	sdelay $0x1  }
0x99: {  	s20 =	simm.s32 $_scs_section_size  }
0x9a: {  	s4 =	simm.s32 $_size__tile_overlayer_lowered;
	s5 =	simm.s32 $_tile_overlayer_lowered  }
0x9b: {  	s6 =	simm.s32 $0x1BFF;
	s21 =	sshll.u32 s5, $0x1;
	s3 =	sadd.s32 s20, s19  }
0x9c: {  	s22 =	simm.s32 $0x0;
	s4 =	sshll.u32 s4, $0x1;
	s5 =	sadd.s32 s21, s3  }
0x9d: {  	[timem:s22], [sflag:s6] =	dma.local [hbm:s5], s4  }
0x9e: {  	_ =	swait.ge [sflag:s6], s4  }
0x9f: {  	s4 =	ssub.s32 $0x0, s4;
	[sflag:s6] =	ssyncset.done $0x0  }
0xa0: {  	[sflag:s6] =	ssyncadd.s32 s4;
	_ =	sdelay $0x1  }
0xa1: {  	s23 =	simm.s32 $0x1B8B  }
0xa2: {  	_ =	swait.ge [sflag:s23], $0x1  }
0xa3: {  	[sflag:s23] =	ssyncset.done $0x0  }
0xa4: {  	[sflag:s23] =	ssyncadd.s32 $0xFFFFFFFF  }
0xa5: {  	s4 =	sld [smem:$0x0]  }
0xa6: {  	s5 =	sand.u32 $0xFFFFFFFE, s1  }
0xa7: {  	p0 =	sne.s32 s1, s5  }
0xa8: {  	s5 =	sshll.u32 @p0 s5, $0xE  }
0xa9: {  	s5 =	sadd.s32 @p0 $0x11B8D, s5;
	s6 =	sshll.u32 @p0 s4, $0x11  }
0xaa: {  	s5 =	sor.u32 @p0 s6, s5  }
0xab: {  	[sflag:s5] =	ssyncadd.remote.s32 @p0 $0x1;
	_ =	sdelay $0x1  }
0xac: {  	s5 =	simm.s32 @p0 $0x1B8D  }
0xad: {  	_ =	swait.eq @p0 [sflag:s5], $0x1  }
0xae: {  	[sflag:s5] =	ssyncadd.s32 @p0 $0xFFFFFFFF  }
0xaf: {  	s6 =	sshll.u32 @!p0 s1, $0xE  }
0xb0: {  	s6 =	sor.u32 @!p0 $0x4000, s6;
	s5 =	simm.s32 @!p0 $0x1B8D  }
0xb1: {  	s4 =	sshll.u32 @!p0 s4, $0x11;
	s6 =	sadd.s32 @!p0 $0x11B8D, s6;
	_ =	swait.eq @!p0 [sflag:s5], $0x1  }
0xb2: {  	s4 =	sor.u32 @!p0 s4, s6;
	[sflag:s5] =	ssyncadd.s32 @!p0 $0xFFFFFFFF  }
0xb3: {  	s25 =	simm.s32 $0x1B8E;
	s24 =	sld [smem:$0x3FFE];
	[sflag:s4] =	ssyncadd.remote.s32 @!p0 $0x1  }
0xb4: {  	s26 =	simm.s32 $execute0_lowered;
	[smem:$0x3FD2] =	sst s25  }
0xb5: {  	s5 =	sshll.u32 s26, $0x1;
	_ =	strace $0x80000049;
	[dreg:$0x1] =	wrdreg $0xFFFFFFFF  }
0xb6: {  	s28 =	simm.s32 $_size_execute0_lowered;
	s3 =	sadd.s32 s3, s5;
	[dreg:$0x0] =	wrdreg $0x0  }
0xb7: {  	s5 =	sshll.u32 s28, $0x1;
	[dreg:$0x2] =	wrdreg s3  }
0xb8: {  	[dreg:$0x3] =	wrdreg s5  }
0xb9: {  	[dreg:$0x4] =	wrdreg $0xC0  }
0xba: {  	_ =	task [dreg:s22], $0x5FFFF  }
0xbb: {  	[dreg:$0x1] =	wrdreg $0xFFFFFFFF  }
0xbc: {  	[dreg:$0x0] =	wrdreg $0x60  }
0xbd: {  	[dreg:$0x2] =	wrdreg s24  }
0xbe: {  	[dreg:$0x3] =	wrdreg $0xA000  }
0xbf: {  	[dreg:$0x4] =	wrdreg $0xB  }
0xc0: {  	_ =	task.clear_ibuf [dreg:s22], $0x5FFFF;
	_ =	strace $0x90000049  }
0xc1: {  	s29 =	simm.s32 $0xB;
	_ =	strace $0x8000004B  }
0xc2: {  	_ =	swait.ge [sflag:s29], $0x1  }
0xc3: {  	[sflag:s29] =	ssyncadd.s32 $0xFFFFFFFF  }
0xc4: {  	_ =	strace $0x9000004B  }
0xc5: {  	_ =	sfence  }
0xc6: {  	s30 =	sld [smem:$0x0];
	_ =	sdelay $0x2  }
0xc7: {  	s31 =	sshll.u32 s1, $0xD;
	s1 =	sshrl.u32 s1, $0x2  }
0xc8: {  	s4 =	sand.u32 $0x4000, s31;
	s1 =	sadd.s32 s1, s30  }
0xc9: {  	s0 =	sor.u32 s4, s0;
	s1 =	sshll.u32 s1, $0x11  }
0xca: {  	s0 =	sor.u32 s1, s0  }
0xcb: {  	s0 =	sadd.s32 $0x8F2B, s0  }
0xcc: {  	[sflag:s0] =	ssyncadd.remote.s32 $0x1  }
0xcd: {  	_ =	sfence.sel $0xFFFF  }
0xce: {  	[dreg:$0x0] =	wrdreg $0xFFFFFFFF;
	(pc) =	sbr.abs _section_cstart, $3  }
0xcf: {  	[dreg:$0x1] =	wrdreg $0xFFFFFFFF  }
0xd0: {  	_ =	task.clear_ibuf [dreg:s22], $0x2FFFF;
	_ =	strace $0x9FFFFFFF  }
0xd1: {  	(tm) =	ssettm $0x7FFFFFFF  }
tec
execute0_lowered:
.L_overlay_start_1:
0x0: {  	(tag) =	ssettag $0x1  }
0x1: {  	s1 =	srdreg.scid  }
0x2: {  	s0 =	stileid.u32;
	s4 =	rddreg [dreg:$0x0]  }
0x3: {  	s2 =	rddreg [dreg:$0x1];
	s3 =	simm.s32 $0x0;
	s15 =	simm.s32 $0x18A00  }
0x4: {  	s16 =	simm.s32 $0x1;
	s17 =	simm.s32 $0x2;
	s18 =	simm.s32 $0x3  }
0x5: {  	s19 =	simm.s32 $0x4;
	s20 =	simm.s32 $0x0;
	s7 =	sand.u32 $0x1, s1  }
0x6: {  	s23 =	sshll.u32 s0, $0x1;
	s1 =	rddreg [dreg:$0x2];
	s8 =	smul.u32 $0x2800, s0  }
0x7: {  	[smem:$0x7FF] =	sst s3;
	s9 =	smul.u32 $0x50000, s0;
	s11 =	sadd.s32 $0x199000, s4  }
0x8: {  	s29 =	sshll.u32 s0, $0x6;
	s30 =	smul.u32 $0x14000, s0;
	s5 =	sor.u32 s7, s23  }
0x9: {  	_ =	strace $0x8000004A;
	s25 =	ssub.s32 $0x2, s7;
	s14 =	smul.u32 $0xA000, s7  }
0xa: {  	s6 =	smul.u32 $0xA00, s5;
	s24 =	sadd.s32 s8, s4;
	s26 =	sshrl.u32 s25, $0x1  }
0xb: {  	s9 =	sshrl.u32 s9, $0x2;
	s28 =	smul.u32 $0xA000, s5;
	s5 =	sor.u32 $0x1C05, s29  }
0xc: {  	s31 =	sadd.s32 s30, s11;
	s12 =	ssub.s32 s25, s26;
	s13 =	sadd.s32 s9, s2  }
0xd: {  	s6 =	sshrl.u32 s6, $0x3;
	s9 =	smax.u32 s12, $0x1;
	s12 =	simm.s32 $0x5  }
0xe: {  	s10 =	sadd.s32 s6, s4;
	s4 =	sadd.s32 $0x9000, s24;
	s6 =	sadd.s32 s11, s28  }
0xf: {  	s11 =	sshrl.u32 s13, $0x3;
	s13 =	simm.s32 $0x80;
	s7 =	sadd.s32 $0x6800, s10  }
0x10: {  	s8 =	sadd.s32 $0x800, s6;
	s10 =	sadd.s32 s14, s31;
	s14 =	simm.s32 $0x14A00  }
.LBB2_1:
0x11: {  	[spmem:s11], [sflag:s5] =	dma.local [hbm:s4], $0x2800  }
0x12: {  	_ =	swait.ge [sflag:s12], $0x2800  }
0x13: {  	[sflag:s12] =	ssyncset.done $0x0  }
0x14: {  	[sflag:s12] =	ssyncadd.s32 $0xFFFFD800  }
0x15: {  	[bflag:$0x0] =	sbarrier.arrive $0xFFFF  }
0x16: {  	[tilespmem:s3], [sflag:$0x5] =	stream.linear.gather [hbm4b:s7+s3], $0xA00, $0x38;
	[tilespmem:$0x1CA00] =	vst v63  }
0x17: {  	_ =	swait.ge [sflag:s12], $0xA00  }
0x18: {  	[sflag:s12] =	ssyncset.done $0x0  }
0x19: {  	[sflag:s12] =	ssyncadd.s32 $0xFFFFF600  }
0x1a: {  	[tilespmem:s14], [sflag:$0x1] =	stream.indirect.gather [spmem:s2], $0x80, s3, s13, $0xb8;
	[tilespmem:$0x1CA00] =	vst v63  }
0x1b: {  	_ = 	snop  }
0x1c: {  	[tilespmem:s15], [sflag:$0x2] =	stream.indirect.gather [spmem:s2], $0x80, s13, s13, $0xb8;
	[tilespmem:$0x1CA00] =	vst v63  }
0x1d: {  	_ =	swait.ge [sflag:s16], $0x4000  }
0x1e: {  	[sflag:s16] =	ssyncset.done $0x0  }
0x1f: {  	[sflag:s16] =	ssyncadd.s32 $0xFFFFC000  }
0x20: {  	[hbm4b:s6+s3] =	stream.linear.scatter [tilespmem:s14], [sflag:$0x3], $0x4000, $0x38;
	[tilespmem:$0x1CA00] =	vst v63  }
0x21: {  	_ =	swait.ge [sflag:s17], $0x4000  }
0x22: {  	[sflag:s17] =	ssyncset.done $0x0  }
0x23: {  	[sflag:s17] =	ssyncadd.s32 $0xFFFFC000  }
0x24: {  	[hbm4b:s8+s3] =	stream.linear.scatter [tilespmem:s15], [sflag:$0x4], $0x4000, $0x38;
	[tilespmem:$0x1CA00] =	vst v63  }
0x25: {  	_ =	swait.ge [sflag:s18], $0x4000  }
0x26: {  	[sflag:s18] =	ssyncset.done $0x0  }
0x27: {  	s21 =	simm.s32 $0x100;
	[sflag:s18] =	ssyncadd.s32 $0xFFFFC000  }
0x28: {  	[tilespmem:s14], [sflag:$0x1] =	stream.indirect.gather [spmem:s2], $0x80, s21, s13, $0xb8;
	[tilespmem:$0x1CA00] =	vst v63  }
0x29: {  	_ =	swait.ge [sflag:s19], $0x4000  }
0x2a: {  	[sflag:s19] =	ssyncset.done $0x0  }
0x2b: {  	s30 =	simm.s32 $0x180;
	[sflag:s19] =	ssyncadd.s32 $0xFFFFC000  }
0x2c: {  	[tilespmem:s15], [sflag:$0x2] =	stream.indirect.gather [spmem:s2], $0x80, s30, s13, $0xb8;
	[tilespmem:$0x1CA00] =	vst v63  }
0x2d: {  	_ =	swait.ge [sflag:s16], $0x4000  }
0x2e: {  	s22 =	sadd.s32 $0x0, s10;
	[sflag:s16] =	ssyncset.done $0x0  }
0x2f: {  	s31 =	sadd.s32 $0x1000, s22;
	[sflag:s16] =	ssyncadd.s32 $0xFFFFC000  }
0x30: {  	[hbm4b:s31+s3] =	stream.linear.scatter [tilespmem:s14], [sflag:$0x3], $0x4000, $0x38;
	[tilespmem:$0x1CA00] =	vst v63  }
0x31: {  	_ =	swait.ge [sflag:s17], $0x4000  }
0x32: {  	s23 =	sadd.s32 $0x1800, s22;
	[sflag:s17] =	ssyncset.done $0x0  }
0x33: {  	s22 =	simm.s32 $0x200;
	s21 =	simm.s32 $0x1000;
	[sflag:s17] =	ssyncadd.s32 $0xFFFFC000  }
.LBB2_2:
0x34: {  	[hbm4b:s23+s3] =	stream.linear.scatter [tilespmem:s15], [sflag:$0x4], $0x4000, $0x38;
	[tilespmem:$0x1CA00] =	vst v63  }
0x35: {  	s23 =	smov.u32 s21  }
0x36: {  	p0 =	sne.s32 s21, $0x8000;
	s21 =	sadd.s32 $0x1000, s21;
	_ =	swait.ge [sflag:s18], $0x4000  }
0x37: {  	[sflag:s18] =	ssyncset.done $0x0  }
0x38: {  	[sflag:s18] =	ssyncadd.s32 $0xFFFFC000  }
0x39: {  	[tilespmem:s14], [sflag:$0x1] =	stream.indirect.gather [spmem:s2], $0x80, s22, s13, $0xb8;
	[tilespmem:$0x1CA00] =	vst v63  }
0x3a: {  	_ =	swait.ge [sflag:s19], $0x4000  }
0x3b: {  	[sflag:s19] =	ssyncset.done $0x0  }
0x3c: {  	s24 =	sadd.s32 $0x80, s22;
	[sflag:s19] =	ssyncadd.s32 $0xFFFFC000  }
0x3d: {  	[tilespmem:s15], [sflag:$0x2] =	stream.indirect.gather [spmem:s2], $0x80, s24, s13, $0xb8;
	[tilespmem:$0x1CA00] =	vst v63  }
0x3e: {  	_ =	swait.ge [sflag:s16], $0x4000  }
0x3f: {  	s23 =	sadd.s32 s23, s10;
	[sflag:s16] =	ssyncset.done $0x0  }
.Ltmp0:
0x40: {  	s24 =	sadd.s32 $0x1000, s23;
	[sflag:s16] =	ssyncadd.s32 $0xFFFFC000;
	(pc) =	sbr.rel @p0 .LBB2_2-.Ltmp0, $4  }
0x41: {  	[hbm4b:s24+s3] =	stream.linear.scatter [tilespmem:s14], [sflag:$0x3], $0x4000, $0x38;
	[tilespmem:$0x1CA00] =	vst v63  }
0x42: {  	_ =	swait.ge [sflag:s17], $0x4000  }
0x43: {  	[sflag:s17] =	ssyncset.done $0x0  }
0x44: {  	s22 =	sadd.s32 $0x100, s22;
	s23 =	sadd.s32 $0x1800, s23;
	[sflag:s17] =	ssyncadd.s32 $0xFFFFC000  }
0x45: {  	[hbm4b:s23+s3] =	stream.linear.scatter [tilespmem:s15], [sflag:$0x4], $0x4000, $0x38;
	[tilespmem:$0x1CA00] =	vst v63  }
0x46: {  	s20 =	sadd.s32 $0x1, s20  }
0x47: {  	_ =	swait.ge [sflag:s18], $0x4000;
	p0 =	sne.s32 s20, s9  }
.Ltmp1:
0x48: {  	[sflag:s18] =	ssyncset.done $0x0;
	(pc) =	sbr.rel @p0 .LBB2_1-.Ltmp1, $4  }
0x49: {  	[sflag:s18] =	ssyncadd.s32 $0xFFFFC000  }
0x4a: {  	_ =	swait.ge [sflag:s19], $0x4000  }
0x4b: {  	[sflag:s19] =	ssyncset.done $0x0  }
0x4c: {  	[sflag:s19] =	ssyncadd.s32 $0xFFFFC000  }
0x4d: {  	_ =	sfence.sel $0x180000  }
0x4e: {  	[bflag:$0x0] =	sbarrier.arrive $0xFFFF  }
0x4f: {  	p0 =	sne.s32 s0, $0x0;
	_ =	strace $0x9000004A  }
0x50: {  	s0 =	sadd.s32 @!p0 $0x100000, s1;
	[bflag:$0x2] =	sbarrier.arrive $0xFFFF  }
0x51: {  	[sflag:s0] =	ssyncadd.tile.s32 @!p0 $0x1;
	_ =	shalt  }
.Lfunc_end2:
_tile_overlayer_lowered:
.L_overlay_start_2:
0x52: {  	(tag) =	ssettag $0x2  }
0x53: {  	s0 =	rddreg [dreg:$0x0];
	s2 =	stileid.u32  }
0x54: {  	s1 =	rddreg [dreg:$0x1];
	p0 =	sne.s32 s2, $0x0  }
0x55: {  	s3 =	rddreg [dreg:$0x2];
	[bflag:$0x3] =	sbarrier.arrive $0xFFFF;
	s2 =	simm.s32 @!p0 $0x1C05  }
0x56: {  	[timem:s3], [sflag:s2] =	dma.local @!p0 [hbm:s0], s1  }
0x57: {  	s0 =	simm.s32 @!p0 $0x5  }
0x58: {  	_ =	swait.ge @!p0 [sflag:s0], s1  }
0x59: {  	s1 =	ssub.s32 @!p0 $0x0, s1;
	[sflag:s0] =	ssyncset.done @!p0 $0x0  }
0x5a: {  	[sflag:s0] =	ssyncadd.s32 @!p0 s1  }
0x5b: {  	[bflag:$0x3] =	sbarrier.arrive $0xFFFF  }
0x5c: {  	_ =	shalt  }

// kernel: kernel.20.cloned.1.call-start
scs
__scs_entry_jumppad:
0x0: {  	(pc) =	sbr.rel $0x88, $3  }
0x1: {  	(tag) =	ssettag $0x0;
	lr =	simm.s32 $0x1  }
0x2: {  	[smem:$0x3F99] =	sst lr;
	_ =	strace $0xD0000000  }
0x3: {  	_ = 	snop  }
0x4: {  	_ = 	snop  }
0x5: {  	_ = 	snop  }
0x6: {  	_ = 	snop  }
0x7: {  	_ = 	snop  }
__scs_overlays_trampoline_lowered:
0x8: {  	[smem:$0x3FA8] =	sst s0  }
0x9: {  	[smem:$0x3FA9] =	sst s1  }
0xa: {  	[smem:$0x3FAA] =	sst s2  }
0xb: {  	[smem:$0x3FAB] =	sst s3  }
0xc: {  	[smem:$0x3FAC] =	sst s4  }
0xd: {  	[smem:$0x3FAD] =	sst s5  }
0xe: {  	[smem:$0x3FAE] =	sst s6  }
0xf: {  	[smem:$0x3FAF] =	sst s7  }
0x10: {  	[smem:$0x3FB0] =	sst s8  }
0x11: {  	[smem:$0x3FB1] =	sst s9;
	s0 =	simm.s32 @!p0 $0x0  }
0x12: {  	s1 =	sld [smem:$0x3F97];
	s0 =	simm.s32 @p0 $0x1  }
0x13: {  	[smem:$0x3FB2] =	sst s0;
	s0 =	simm.s32 @!p1 $0x0  }
0x14: {  	s2 =	sld [smem:$0x3F96];
	s0 =	simm.s32 @p1 $0x1  }
0x15: {  	[smem:$0x3FB3] =	sst s0;
	s0 =	simm.s32 @!p2 $0x0  }
0x16: {  	s3 =	sld [smem:$0x3FDB];
	s0 =	simm.s32 @p2 $0x1  }
0x17: {  	s4 =	simm.s32 $0x1BF5;
	[smem:$0x3FB5] =	sst s0  }
0x18: {  	s0 =	sld [smem:$0x3F98];
	_ =	swait.ge [sflag:s4], $0x0  }
0x19: {  	s7 =	sld [smem:$0x3F99]  }
0x1a: {  	s8 =	sadd.s32 $0xFFFFE003, lr  }
0x1b: {  	s9 =	sadd.s32 $0xFFFFFEF7, lr;
	s5 =	simm.s32 $0xFFFFFFFF;
	p2 =	slt.u32 s8, $0xFFFFF086  }
0x1c: {  	p1 =	slt.u32 s9, $0xF7A;
	s5 =	simm.s32 @!p2 $0x0  }
0x1d: {  	s5 =	simm.s32 @p1 $0x1;
	p0 =	seq.s32 s7, s2  }
0x1e: {  	s7 =	smul.u32 @!p0 $0xF7A, s2;
	p2 =	seq.s32 @!p0 s5, $0x0  }
0x1f: {  	s9 =	smul.u32 $0xF7A, s1;
	s8 =	simm.s32 @!p0 $0x1BF5;
	p2 =	por !p2, p0  }
0x20: {  	[sflag:s8] =	ssyncset.s32 @!p0 $0xFFFFF086;
	s6 =	sadd.s32 @!p0 s3, s7;
	s7 =	simm.s32 @!p0 $0x108  }
0x21: {  	s3 =	sadd.s32 s3, s9;
	s6 =	sadd.s32 @!p0 $0x88, s6;
	s7 =	simm.s32 @p2 $0x1082  }
0x22: {  	[simem:s7], [sflag:s8] =	dma.local @!p0 [hbm:s6], $0xF7A  }
0x23: {  	s9 =	sor.u32 $0xD0000000, s2;
	s6 =	simm.s32 $0x108;
	_ =	swait.ge @!p0 [sflag:s8], $0x0  }
0x24: {  	s3 =	sadd.s32 $0x88, s3;
	s6 =	simm.s32 @!p1 $0x1082;
	[sflag:s4] =	ssyncset.s32 $0xFFFFF086  }
0x25: {  	[simem:s6], [sflag:s4] =	dma.local [hbm:s3], $0xF7A  }
0x26: {  	[smem:$0x3F99] =	sst s1;
	(tag) =	ssettag s2;
	_ =	strace s9  }
0x27: {  	s1 =	sld [smem:$0x3FA9]  }
0x28: {  	s2 =	sld [smem:$0x3FAA]  }
0x29: {  	s4 =	sld [smem:$0x3FAC]  }
0x2a: {  	p0 =	seq.s32 s5, $0x0;
	s5 =	sld [smem:$0x3FAD]  }
0x2b: {  	s6 =	sld [smem:$0x3FAE]  }
0x2c: {  	s7 =	sld [smem:$0x3FAF]  }
0x2d: {  	s3 =	simm.s32 $0x108;
	s8 =	sld [smem:$0x3FB0]  }
0x2e: {  	s3 =	simm.s32 @!p0 $0x1082;
	s9 =	sld [smem:$0x3FB1]  }
0x2f: {  	lr =	sadd.s32 s0, s3;
	s0 =	sld [smem:$0x3FA8]  }
0x30: {  	s3 =	sld [smem:$0x3FAB]  }
0x31: {  	[smem:$0x3FB4] =	sst s10  }
0x32: {  	s10 =	sld [smem:$0x3FB2];
	_ =	sdelay $0x3  }
0x33: {  	p0 =	seq.s32 s10, $0x1;
	s10 =	sld [smem:$0x3FB4];
	_ =	sdelay $0x3  }
0x34: {  	[smem:$0x3FB4] =	sst s10  }
0x35: {  	s10 =	sld [smem:$0x3FB3];
	_ =	sdelay $0x3  }
0x36: {  	p1 =	seq.s32 s10, $0x1;
	s10 =	sld [smem:$0x3FB4];
	_ =	sdelay $0x3  }
0x37: {  	[smem:$0x3FB4] =	sst s10  }
0x38: {  	s10 =	sld [smem:$0x3FB5]  }
0x39: {  	_ = 	snop;
	(pc) =	sbr.ind lr, $3  }
0x3a: {  	_ = 	snop  }
0x3b: {  	_ = 	snop  }
0x3c: {  	p2 =	seq.s32 s10, $0x1;
	s10 =	sld [smem:$0x3FB4]  }
0x3d: {  	_ =	shalt  }
0x3e: {  	_ =	shalt  }
0x3f: {  	_ =	shalt  }
0x40: {  	_ =	shalt  }
0x41: {  	_ =	shalt  }
0x42: {  	_ =	shalt  }
0x43: {  	_ =	shalt  }
0x44: {  	_ =	shalt  }
0x45: {  	_ =	shalt  }
0x46: {  	_ =	shalt  }
0x47: {  	_ =	shalt  }
0x48: {  	_ =	shalt  }
0x49: {  	_ =	shalt  }
0x4a: {  	_ =	shalt  }
0x4b: {  	_ =	shalt  }
0x4c: {  	_ =	shalt  }
0x4d: {  	_ =	shalt  }
0x4e: {  	_ =	shalt  }
0x4f: {  	_ =	shalt  }
0x50: {  	_ =	shalt  }
0x51: {  	_ =	shalt  }
0x52: {  	_ =	shalt  }
0x53: {  	_ =	shalt  }
0x54: {  	_ =	shalt  }
0x55: {  	_ =	shalt  }
0x56: {  	_ =	shalt  }
0x57: {  	_ =	shalt  }
0x58: {  	_ =	shalt  }
0x59: {  	_ =	shalt  }
0x5a: {  	_ =	shalt  }
0x5b: {  	_ =	shalt  }
0x5c: {  	_ =	shalt  }
0x5d: {  	_ =	shalt  }
0x5e: {  	_ =	shalt  }
0x5f: {  	_ =	shalt  }
0x60: {  	_ =	shalt  }
0x61: {  	_ =	shalt  }
0x62: {  	_ =	shalt  }
0x63: {  	_ =	shalt  }
0x64: {  	_ =	shalt  }
0x65: {  	_ =	shalt  }
0x66: {  	_ =	shalt  }
0x67: {  	_ =	shalt  }
0x68: {  	_ =	shalt  }
0x69: {  	_ =	shalt  }
0x6a: {  	_ =	shalt  }
0x6b: {  	_ =	shalt  }
0x6c: {  	_ =	shalt  }
0x6d: {  	_ =	shalt  }
0x6e: {  	_ =	shalt  }
0x6f: {  	_ =	shalt  }
0x70: {  	_ =	shalt  }
0x71: {  	_ =	shalt  }
0x72: {  	_ =	shalt  }
0x73: {  	_ =	shalt  }
0x74: {  	_ =	shalt  }
0x75: {  	_ =	shalt  }
0x76: {  	_ =	shalt  }
0x77: {  	_ =	shalt  }
0x78: {  	_ =	shalt  }
0x79: {  	_ =	shalt  }
0x7a: {  	_ =	shalt  }
0x7b: {  	_ =	shalt  }
0x7c: {  	_ =	shalt  }
0x7d: {  	_ =	shalt  }
0x7e: {  	_ =	shalt  }
0x7f: {  	_ =	shalt  }
0x80: {  	_ =	shalt  }
0x81: {  	_ =	shalt  }
0x82: {  	_ =	shalt  }
0x83: {  	_ =	shalt  }
0x84: {  	_ =	shalt  }
0x85: {  	_ =	shalt  }
0x86: {  	_ =	shalt  }
0x87: {  	_ =	shalt  }
.Lfunc_end0:
.L_simem_size_0:
called_computation.3_lowered:
.L_overlay_start_0:
0x88: {  	s2 =	sld [smem:$0x3FD9]  }
0x89: {  	s3 =	sld [smem:$0x3FFE];
	_ =	sdelay $0x1  }
0x8a: {  	s1 =	srdreg.scid  }
0x8b: {  	s0 =	sand.u32 $0x1, s1  }
0x8c: {  	s16 =	sshll.u32 s0, $0xA;
	s2 =	sadd.s32 s3, s2  }
0x8d: {  	s2 =	sadd.s32 s2, s16  }
0x8e: {  	[smem:$0x3FC0] =	sst s2  }
0x8f: {  	_ = 	snop  }
0x90: {  	(tm) =	ssettm $0x1  }
0x91: {  	s17 =	sld [smem:$0x3FFB];
	_ =	sdelay $0x3  }
0x92: {  	_ =	strace s17  }
0x93: {  	s2 =	sld [smem:$0x3FFC];
	_ =	sdelay $0x3  }
0x94: {  	_ =	strace s2  }
0x95: {  	s2 =	sld [smem:$0x3FFD];
	_ =	sdelay $0x3  }
0x96: {  	_ =	strace s2  }
0x97: {  	_ =	strace $0x8FFFFFFF  }
0x98: {  	s18 =	sld [smem:$0x3FDB];
	_ =	sdelay $0x1  }
0x99: {  	s19 =	simm.s32 $_scs_section_size  }
0x9a: {  	s4 =	simm.s32 $_size__tile_overlayer_lowered;
	s5 =	simm.s32 $_tile_overlayer_lowered  }
0x9b: {  	s22 =	simm.s32 $0x1BFF;
	s21 =	sshll.u32 s5, $0x1;
	s2 =	sadd.s32 s19, s18  }
0x9c: {  	s6 =	simm.s32 $0x0;
	s20 =	sshll.u32 s4, $0x1;
	s4 =	sadd.s32 s21, s2  }
0x9d: {  	[timem:s6], [sflag:s22] =	dma.local [hbm:s4], s20  }
0x9e: {  	_ =	swait.ge [sflag:s22], s20  }
0x9f: {  	s3 =	ssub.s32 $0x0, s20;
	[sflag:s22] =	ssyncset.done $0x0  }
0xa0: {  	[sflag:s22] =	ssyncadd.s32 s3;
	_ =	sdelay $0x1  }
0xa1: {  	s23 =	simm.s32 $0x1B8B  }
0xa2: {  	_ =	swait.ge [sflag:s23], $0x1  }
0xa3: {  	[sflag:s23] =	ssyncset.done $0x0  }
0xa4: {  	s25 =	simm.s32 $0x1B8E;
	s24 =	sld [smem:$0x3FFE];
	[sflag:s23] =	ssyncadd.s32 $0xFFFFFFFF  }
0xa5: {  	s26 =	simm.s32 $execute0_lowered;
	[smem:$0x3FD2] =	sst s25  }
0xa6: {  	s4 =	sshll.u32 s26, $0x1;
	_ =	strace $0x80000046;
	[dreg:$0x1] =	wrdreg $0xFFFFFFFF  }
0xa7: {  	s28 =	simm.s32 $_size_execute0_lowered;
	s2 =	sadd.s32 s2, s4;
	[dreg:$0x0] =	wrdreg $0x0  }
0xa8: {  	s4 =	sshll.u32 s28, $0x1;
	[dreg:$0x2] =	wrdreg s2  }
0xa9: {  	[dreg:$0x3] =	wrdreg s4  }
0xaa: {  	[dreg:$0x4] =	wrdreg $0xC0  }
0xab: {  	_ =	task [dreg:s6], $0x5FFFF  }
0xac: {  	[dreg:$0x1] =	wrdreg $0xFFFFFFFF  }
0xad: {  	[dreg:$0x0] =	wrdreg $0x60  }
0xae: {  	[dreg:$0x2] =	wrdreg s24  }
0xaf: {  	[dreg:$0x3] =	wrdreg $0xA000  }
0xb0: {  	[dreg:$0x4] =	wrdreg $0xC  }
0xb1: {  	_ =	task.clear_ibuf [dreg:s6], $0x5FFFF;
	_ =	strace $0x90000046  }
0xb2: {  	s29 =	simm.s32 $0xC;
	_ =	strace $0x80000048  }
0xb3: {  	_ =	swait.ge [sflag:s29], $0x1  }
0xb4: {  	[sflag:s29] =	ssyncadd.s32 $0xFFFFFFFF  }
0xb5: {  	_ =	strace $0x90000048  }
0xb6: {  	_ =	sfence  }
0xb7: {  	s30 =	sld [smem:$0x0];
	_ =	sdelay $0x2  }
0xb8: {  	s31 =	sshll.u32 s1, $0xD;
	s1 =	sshrl.u32 s1, $0x2  }
0xb9: {  	s3 =	sand.u32 $0x4000, s31;
	s1 =	sadd.s32 s1, s30  }
0xba: {  	s0 =	sor.u32 s3, s0;
	s1 =	sshll.u32 s1, $0x11  }
0xbb: {  	s0 =	sor.u32 s1, s0  }
0xbc: {  	s0 =	sadd.s32 $0x8F2B, s0  }
0xbd: {  	[sflag:s0] =	ssyncadd.remote.s32 $0x1  }
0xbe: {  	_ =	sfence.sel $0xFFFF  }
0xbf: {  	[dreg:$0x0] =	wrdreg $0xFFFFFFFF;
	(pc) =	sbr.abs _section_cstart, $3  }
0xc0: {  	[dreg:$0x1] =	wrdreg $0xFFFFFFFF  }
0xc1: {  	_ =	task.clear_ibuf [dreg:s6], $0x2FFFF;
	_ =	strace $0x9FFFFFFF  }
0xc2: {  	(tm) =	ssettm $0x7FFFFFFF  }
0xc3: {  	_ =	shalt  }
tec
execute0_lowered:
.L_overlay_start_1:
0x0: {  	(tag) =	ssettag $0x1  }
0x1: {  	s1 =	srdreg.scid  }
0x2: {  	s0 =	stileid.u32;
	s4 =	rddreg [dreg:$0x0]  }
0x3: {  	s2 =	rddreg [dreg:$0x1];
	s3 =	simm.s32 $0x0;
	s15 =	simm.s32 $0x18A00  }
0x4: {  	s16 =	simm.s32 $0x1;
	s17 =	simm.s32 $0x2;
	s18 =	simm.s32 $0x3  }
0x5: {  	s19 =	simm.s32 $0x4;
	s20 =	simm.s32 $0x0;
	s7 =	sand.u32 $0x1, s1  }
0x6: {  	s23 =	sshll.u32 s0, $0x1;
	s1 =	rddreg [dreg:$0x2];
	s8 =	smul.u32 $0x2800, s0  }
0x7: {  	[smem:$0x7FF] =	sst s3;
	s9 =	smul.u32 $0x50000, s0;
	s11 =	sadd.s32 $0x59000, s4  }
0x8: {  	s29 =	sshll.u32 s0, $0x6;
	s30 =	smul.u32 $0x14000, s0;
	s5 =	sor.u32 s7, s23  }
0x9: {  	_ =	strace $0x80000047;
	s25 =	ssub.s32 $0x2, s7;
	s14 =	smul.u32 $0xA000, s7  }
0xa: {  	s6 =	smul.u32 $0xA00, s5;
	s24 =	sadd.s32 s8, s4;
	s26 =	sshrl.u32 s25, $0x1  }
0xb: {  	s9 =	sshrl.u32 s9, $0x2;
	s28 =	smul.u32 $0xA000, s5;
	s5 =	sor.u32 $0x1C05, s29  }
0xc: {  	s31 =	sadd.s32 s30, s11;
	s12 =	ssub.s32 s25, s26;
	s13 =	sadd.s32 s9, s2  }
0xd: {  	s6 =	sshrl.u32 s6, $0x3;
	s9 =	smax.u32 s12, $0x1;
	s12 =	simm.s32 $0x5  }
0xe: {  	s10 =	sadd.s32 s6, s4;
	s4 =	sadd.s32 $0x9000, s24;
	s6 =	sadd.s32 s11, s28  }
0xf: {  	s11 =	sshrl.u32 s13, $0x3;
	s13 =	simm.s32 $0x80;
	s7 =	sadd.s32 $0x4000, s10  }
0x10: {  	s8 =	sadd.s32 $0x800, s6;
	s10 =	sadd.s32 s14, s31;
	s14 =	simm.s32 $0x14A00  }
.LBB2_1:
0x11: {  	[spmem:s11], [sflag:s5] =	dma.local [hbm:s4], $0x2800  }
0x12: {  	_ =	swait.ge [sflag:s12], $0x2800  }
0x13: {  	[sflag:s12] =	ssyncset.done $0x0  }
0x14: {  	[sflag:s12] =	ssyncadd.s32 $0xFFFFD800  }
0x15: {  	[bflag:$0x0] =	sbarrier.arrive $0xFFFF  }
0x16: {  	[tilespmem:s3], [sflag:$0x5] =	stream.linear.gather [hbm4b:s7+s3], $0xA00, $0x38;
	[tilespmem:$0x1CA00] =	vst v63  }
0x17: {  	_ =	swait.ge [sflag:s12], $0xA00  }
0x18: {  	[sflag:s12] =	ssyncset.done $0x0  }
0x19: {  	[sflag:s12] =	ssyncadd.s32 $0xFFFFF600  }
0x1a: {  	[tilespmem:s14], [sflag:$0x1] =	stream.indirect.gather [spmem:s2], $0x80, s3, s13, $0xb8;
	[tilespmem:$0x1CA00] =	vst v63  }
0x1b: {  	_ = 	snop  }
0x1c: {  	[tilespmem:s15], [sflag:$0x2] =	stream.indirect.gather [spmem:s2], $0x80, s13, s13, $0xb8;
	[tilespmem:$0x1CA00] =	vst v63  }
0x1d: {  	_ =	swait.ge [sflag:s16], $0x4000  }
0x1e: {  	[sflag:s16] =	ssyncset.done $0x0  }
0x1f: {  	[sflag:s16] =	ssyncadd.s32 $0xFFFFC000  }
0x20: {  	[hbm4b:s6+s3] =	stream.linear.scatter [tilespmem:s14], [sflag:$0x3], $0x4000, $0x38;
	[tilespmem:$0x1CA00] =	vst v63  }
0x21: {  	_ =	swait.ge [sflag:s17], $0x4000  }
0x22: {  	[sflag:s17] =	ssyncset.done $0x0  }
0x23: {  	[sflag:s17] =	ssyncadd.s32 $0xFFFFC000  }
0x24: {  	[hbm4b:s8+s3] =	stream.linear.scatter [tilespmem:s15], [sflag:$0x4], $0x4000, $0x38;
	[tilespmem:$0x1CA00] =	vst v63  }
0x25: {  	_ =	swait.ge [sflag:s18], $0x4000  }
0x26: {  	[sflag:s18] =	ssyncset.done $0x0  }
0x27: {  	s21 =	simm.s32 $0x100;
	[sflag:s18] =	ssyncadd.s32 $0xFFFFC000  }
0x28: {  	[tilespmem:s14], [sflag:$0x1] =	stream.indirect.gather [spmem:s2], $0x80, s21, s13, $0xb8;
	[tilespmem:$0x1CA00] =	vst v63  }
0x29: {  	_ =	swait.ge [sflag:s19], $0x4000  }
0x2a: {  	[sflag:s19] =	ssyncset.done $0x0  }
0x2b: {  	s30 =	simm.s32 $0x180;
	[sflag:s19] =	ssyncadd.s32 $0xFFFFC000  }
0x2c: {  	[tilespmem:s15], [sflag:$0x2] =	stream.indirect.gather [spmem:s2], $0x80, s30, s13, $0xb8;
	[tilespmem:$0x1CA00] =	vst v63  }
0x2d: {  	_ =	swait.ge [sflag:s16], $0x4000  }
0x2e: {  	s22 =	sadd.s32 $0x0, s10;
	[sflag:s16] =	ssyncset.done $0x0  }
0x2f: {  	s31 =	sadd.s32 $0x1000, s22;
	[sflag:s16] =	ssyncadd.s32 $0xFFFFC000  }
0x30: {  	[hbm4b:s31+s3] =	stream.linear.scatter [tilespmem:s14], [sflag:$0x3], $0x4000, $0x38;
	[tilespmem:$0x1CA00] =	vst v63  }
0x31: {  	_ =	swait.ge [sflag:s17], $0x4000  }
0x32: {  	s23 =	sadd.s32 $0x1800, s22;
	[sflag:s17] =	ssyncset.done $0x0  }
0x33: {  	s22 =	simm.s32 $0x200;
	s21 =	simm.s32 $0x1000;
	[sflag:s17] =	ssyncadd.s32 $0xFFFFC000  }
.LBB2_2:
0x34: {  	[hbm4b:s23+s3] =	stream.linear.scatter [tilespmem:s15], [sflag:$0x4], $0x4000, $0x38;
	[tilespmem:$0x1CA00] =	vst v63  }
0x35: {  	s23 =	smov.u32 s21  }
0x36: {  	p0 =	sne.s32 s21, $0x8000;
	s21 =	sadd.s32 $0x1000, s21;
	_ =	swait.ge [sflag:s18], $0x4000  }
0x37: {  	[sflag:s18] =	ssyncset.done $0x0  }
0x38: {  	[sflag:s18] =	ssyncadd.s32 $0xFFFFC000  }
0x39: {  	[tilespmem:s14], [sflag:$0x1] =	stream.indirect.gather [spmem:s2], $0x80, s22, s13, $0xb8;
	[tilespmem:$0x1CA00] =	vst v63  }
0x3a: {  	_ =	swait.ge [sflag:s19], $0x4000  }
0x3b: {  	[sflag:s19] =	ssyncset.done $0x0  }
0x3c: {  	s24 =	sadd.s32 $0x80, s22;
	[sflag:s19] =	ssyncadd.s32 $0xFFFFC000  }
0x3d: {  	[tilespmem:s15], [sflag:$0x2] =	stream.indirect.gather [spmem:s2], $0x80, s24, s13, $0xb8;
	[tilespmem:$0x1CA00] =	vst v63  }
0x3e: {  	_ =	swait.ge [sflag:s16], $0x4000  }
0x3f: {  	s23 =	sadd.s32 s23, s10;
	[sflag:s16] =	ssyncset.done $0x0  }
.Ltmp0:
0x40: {  	s24 =	sadd.s32 $0x1000, s23;
	[sflag:s16] =	ssyncadd.s32 $0xFFFFC000;
	(pc) =	sbr.rel @p0 .LBB2_2-.Ltmp0, $4  }
0x41: {  	[hbm4b:s24+s3] =	stream.linear.scatter [tilespmem:s14], [sflag:$0x3], $0x4000, $0x38;
	[tilespmem:$0x1CA00] =	vst v63  }
0x42: {  	_ =	swait.ge [sflag:s17], $0x4000  }
0x43: {  	[sflag:s17] =	ssyncset.done $0x0  }
0x44: {  	s22 =	sadd.s32 $0x100, s22;
	s23 =	sadd.s32 $0x1800, s23;
	[sflag:s17] =	ssyncadd.s32 $0xFFFFC000  }
0x45: {  	[hbm4b:s23+s3] =	stream.linear.scatter [tilespmem:s15], [sflag:$0x4], $0x4000, $0x38;
	[tilespmem:$0x1CA00] =	vst v63  }
0x46: {  	s20 =	sadd.s32 $0x1, s20  }
0x47: {  	_ =	swait.ge [sflag:s18], $0x4000;
	p0 =	sne.s32 s20, s9  }
.Ltmp1:
0x48: {  	[sflag:s18] =	ssyncset.done $0x0;
	(pc) =	sbr.rel @p0 .LBB2_1-.Ltmp1, $4  }
0x49: {  	[sflag:s18] =	ssyncadd.s32 $0xFFFFC000  }
0x4a: {  	_ =	swait.ge [sflag:s19], $0x4000  }
0x4b: {  	[sflag:s19] =	ssyncset.done $0x0  }
0x4c: {  	[sflag:s19] =	ssyncadd.s32 $0xFFFFC000  }
0x4d: {  	_ =	sfence.sel $0x180000  }
0x4e: {  	[bflag:$0x0] =	sbarrier.arrive $0xFFFF  }
0x4f: {  	p0 =	sne.s32 s0, $0x0;
	_ =	strace $0x90000047  }
0x50: {  	s0 =	sadd.s32 @!p0 $0x100000, s1;
	[bflag:$0x2] =	sbarrier.arrive $0xFFFF  }
0x51: {  	[sflag:s0] =	ssyncadd.tile.s32 @!p0 $0x1;
	_ =	shalt  }
.Lfunc_end2:
_tile_overlayer_lowered:
.L_overlay_start_2:
0x52: {  	(tag) =	ssettag $0x2  }
0x53: {  	s0 =	rddreg [dreg:$0x0];
	s2 =	stileid.u32  }
0x54: {  	s1 =	rddreg [dreg:$0x1];
	p0 =	sne.s32 s2, $0x0  }
0x55: {  	s3 =	rddreg [dreg:$0x2];
	[bflag:$0x3] =	sbarrier.arrive $0xFFFF;
	s2 =	simm.s32 @!p0 $0x1C05  }
0x56: {  	[timem:s3], [sflag:s2] =	dma.local @!p0 [hbm:s0], s1  }
0x57: {  	s0 =	simm.s32 @!p0 $0x5  }
0x58: {  	_ =	swait.ge @!p0 [sflag:s0], s1  }
0x59: {  	s1 =	ssub.s32 @!p0 $0x0, s1;
	[sflag:s0] =	ssyncset.done @!p0 $0x0  }
0x5a: {  	[sflag:s0] =	ssyncadd.s32 @!p0 s1  }
0x5b: {  	[bflag:$0x3] =	sbarrier.arrive $0xFFFF  }
0x5c: {  	_ =	shalt  }

</sc_bundles>
